<compile_context>
chip_gen: v7x
topology: tpu7x:2x2x1
jax: 0.10.2.dev20260603
libtpu: 0.0.44.dev20260713+nightly
codegen_flags: <defaults>
</compile_context>

<pallas_src>
import functools

import jax
import jax.numpy as jnp
from jax import lax
from jax.experimental import pallas as pl
from jax.experimental.pallas import tpu as pltpu
from jax.experimental.pallas import tpu_sc as plsc

_B = 16384
_LQ = 20
_LT = 200
_V = 1000
_D = 64
_H = 64

_NC = 2
_NS = 16
_NW = _NC * _NS
_NSLICE = 4
_BS = _B // _NSLICE
_BPW = _BS // _NW
_CB = 128
_NCHUNK = _BPW // _CB


def _sc_pool_body(qt_hbm, tt_hbm, emb_hbm, qsum_hbm, tsum_hbm,
                  table_v, qtok_v, ttok_v, qs_v, ts_v, in_sem, out_sem):
    c = lax.axis_index("c")
    s = lax.axis_index("s")
    wid = s * _NC + c
    base = wid * _BPW

    pltpu.sync_copy(emb_hbm, table_v)

    lane = lax.iota(jnp.int32, 16)
    hi_mask = jnp.full((16,), 0xFFFF0000, jnp.uint32)
    zero32 = jnp.zeros((32,), jnp.bfloat16)

    def pooled16(tv, accs):
        p0, p1 = zero32, zero32
        for i in range(16):
            t = tv[i]
            p0 = p0 + table_v[t, pl.ds(0, 32)]
            p1 = p1 + table_v[t, pl.ds(32, 32)]
        a0, a1, a2, a3 = accs
        r0 = plsc.bitcast(p0, jnp.uint32)
        r1 = plsc.bitcast(p1, jnp.uint32)
        a0 = a0 + plsc.bitcast(r0 << 16, jnp.float32)
        a1 = a1 + plsc.bitcast(r0 & hi_mask, jnp.float32)
        a2 = a2 + plsc.bitcast(r1 << 16, jnp.float32)
        a3 = a3 + plsc.bitcast(r1 & hi_mask, jnp.float32)
        return a0, a1, a2, a3

    def accum_chunk(tok_ref, e, nfull, tail_off, keep_from, keep_to, out_ref):
        zero = jnp.zeros((16,), jnp.float32)

        def vreg_chunk(r, accs):
            return pooled16(tok_ref[e, pl.ds(r * 16, 16)], accs)

        accs = lax.fori_loop(0, nfull, vreg_chunk, (zero,) * 4)
        tv = tok_ref[e, pl.ds(tail_off, 16)]
        tv = jnp.where((lane >= keep_from) & (lane < keep_to), tv, 0)
        accs = pooled16(tv, accs)
        half = (e & 1) * 64
        for j in range(4):
            out_ref[e >> 1, pl.ds(half + 16 * j, 16)] = accs[j]

    def in_start(k, buf):
        cb = base + k * _CB
        pltpu.make_async_copy(qt_hbm.at[pl.ds(cb, _CB)], qtok_v.at[buf],
                              in_sem).start()
        pltpu.make_async_copy(tt_hbm.at[pl.ds(cb, _CB)], ttok_v.at[buf],
                              in_sem).start()

    def in_wait(buf):
        pltpu.make_async_copy(qt_hbm.at[pl.ds(base, _CB)], qtok_v.at[buf],
                              in_sem).wait()
        pltpu.make_async_copy(tt_hbm.at[pl.ds(base, _CB)], ttok_v.at[buf],
                              in_sem).wait()

    def out_start(k, buf):
        cb = (base + k * _CB) // 2
        pltpu.make_async_copy(qs_v.at[buf], qsum_hbm.at[pl.ds(cb, _CB // 2)],
                              out_sem).start()
        pltpu.make_async_copy(ts_v.at[buf], tsum_hbm.at[pl.ds(cb, _CB // 2)],
                              out_sem).start()

    def out_wait(buf):
        pltpu.make_async_copy(qs_v.at[buf],
                              qsum_hbm.at[pl.ds(base // 2, _CB // 2)],
                              out_sem).wait()
        pltpu.make_async_copy(ts_v.at[buf],
                              tsum_hbm.at[pl.ds(base // 2, _CB // 2)],
                              out_sem).wait()

    in_start(0, 0)
    for k in range(_NCHUNK):
        buf = k % 2
        in_wait(buf)
        if k + 1 < _NCHUNK:
            in_start(k + 1, 1 - buf)
        if k >= 2:
            out_wait(buf)

        def ex_body(e, _, buf=buf):
            accum_chunk(qtok_v.at[buf], e, 1, 4, 12, 16, qs_v.at[buf])
            accum_chunk(ttok_v.at[buf], e, 12, 184, 8, 16, ts_v.at[buf])
            return 0

        lax.fori_loop(0, _CB, ex_body, 0)
        out_start(k, buf)
    for b in range(min(_NCHUNK, 2)):
        out_wait((_NCHUNK - 1 - b) % 2)


_PERM = ([2 * k for k in range(16)] + [2 * k + 1 for k in range(16)]
         + [32 + 2 * k for k in range(16)] + [33 + 2 * k for k in range(16)])


@jax.jit
def _sc_pool(query_tokens, title_tokens, emb16):
    mesh = plsc.VectorSubcoreMesh(core_axis_name="c", subcore_axis_name="s",
                                  num_cores=_NC, num_subcores=_NS)
    f = pl.kernel(
        _sc_pool_body,
        out_type=[jax.ShapeDtypeStruct((_BS // 2, 2 * _D), jnp.float32),
                  jax.ShapeDtypeStruct((_BS // 2, 2 * _D), jnp.float32)],
        mesh=mesh,
        scratch_types=[
            pltpu.VMEM((_V, _D), jnp.bfloat16),
            pltpu.VMEM((2, _CB, _LQ), jnp.int32),
            pltpu.VMEM((2, _CB, _LT), jnp.int32),
            pltpu.VMEM((2, _CB // 2, 2 * _D), jnp.float32),
            pltpu.VMEM((2, _CB // 2, 2 * _D), jnp.float32),
            pltpu.SemaphoreType.DMA,
            pltpu.SemaphoreType.DMA,
        ],
        compiler_params=pltpu.CompilerParams(use_tc_tiling_on_sc=False, needs_layout_passes=False),
    )
    return f(query_tokens, title_tokens, emb16)


_TC_BLK = 512


def _tc_head_body(qs_ref, ts_ref, wq_ref, bq_ref, wt_ref, bt_ref, out_ref):
    qh = jnp.tanh(
        lax.dot_general(qs_ref[...], wq_ref[...], (((1,), (0,)), ((), ())),
                        preferred_element_type=jnp.float32) + bq_ref[...])
    th = jnp.tanh(
        lax.dot_general(ts_ref[...], wt_ref[...], (((1,), (0,)), ((), ())),
                        preferred_element_type=jnp.float32) + bt_ref[...])
    prod = qh * th
    qq = qh * qh
    tt = th * th
    for h in range(2):
        sl = slice(64 * h, 64 * (h + 1))
        w12 = jnp.sum(prod[:, sl], axis=1, keepdims=True)
        w1s = jnp.sum(qq[:, sl], axis=1, keepdims=True)
        w2s = jnp.sum(tt[:, sl], axis=1, keepdims=True)
        cos = w12 / (jnp.sqrt(w1s) * jnp.sqrt(w2s) + 1e-12)
        out_ref[:, h:h + 1] = (cos + 1.0) * 0.5


@jax.jit
def _tc_head(qsum, tsum, W2q, b2q, W2t, b2t):
    grid = (_BS // 2 // _TC_BLK,)
    return pl.pallas_call(
        _tc_head_body,
        grid=grid,
        in_specs=[
            pl.BlockSpec((_TC_BLK, 2 * _D), lambda i: (i, 0)),
            pl.BlockSpec((_TC_BLK, 2 * _D), lambda i: (i, 0)),
            pl.BlockSpec((2 * _H, 2 * _H), lambda i: (0, 0)),
            pl.BlockSpec((1, 2 * _H), lambda i: (0, 0)),
            pl.BlockSpec((2 * _H, 2 * _H), lambda i: (0, 0)),
            pl.BlockSpec((1, 2 * _H), lambda i: (0, 0)),
        ],
        out_specs=pl.BlockSpec((_TC_BLK, 2), lambda i: (i, 0)),
        out_shape=jax.ShapeDtypeStruct((_BS // 2, 2), jnp.float32),
    )(qsum, tsum, W2q, b2q.reshape(1, 2 * _H), W2t, b2t.reshape(1, 2 * _H))


def _blockdiag2(W):
    z = jnp.zeros((_H, _H), W.dtype)
    return jnp.concatenate(
        [jnp.concatenate([W, z], axis=1),
         jnp.concatenate([z, W], axis=1)], axis=0)


def kernel(query_tokens, title_tokens, emb, Wq, bq, Wt, bt):
    perm = jnp.asarray(_PERM, jnp.int32)
    W2q = _blockdiag2(Wq[:, perm].T)
    W2t = _blockdiag2(Wt[:, perm].T)
    b2q = jnp.concatenate([bq, bq])
    b2t = jnp.concatenate([bt, bt])
    emb16 = emb.astype(jnp.bfloat16)
    outs = []
    for i in range(_NSLICE):
        sl = slice(i * _BS, (i + 1) * _BS)
        qsum, tsum = _sc_pool(query_tokens[sl], title_tokens[sl], emb16)
        outs.append(_tc_head(qsum, tsum, W2q, b2q, W2t, b2t))
    return jnp.concatenate(outs, axis=0).reshape(_B, 1)

# --- scband reference (transcript-rebuilt; emitter-appended) ---
"""Pipeline reference for scband-cosine-qt-discriminator-29798483100070 (READ-ONLY COPY).

The authoritative reference and input builder live on the scoring server;
editing this copy changes nothing except your own understanding.
"""

import jax, jax.numpy as jnp
import numpy as np

B = 16384
LQ = 20
LT = 200
V = 1000
D = 64
H = 64

def setup_inputs(seed: int = 0) -> dict:
    key = jax.random.key(seed)
    k1, k2, k3, k4, k5, k6, k7 = jax.random.split(key, 7)
    query_tokens = jax.random.randint(k1, (B, LQ), 0, V)
    title_tokens = jax.random.randint(k2, (B, LT), 0, V)
    emb = jax.random.normal(k3, (V, D), dtype=jnp.float32)
    emb = emb.at[0].set(0.0)  # padding_idx row zeroed (torch nn.Embedding padding_idx)
    Wq = jax.random.normal(k4, (H, D), dtype=jnp.float32) * (1.0 / np.sqrt(D))
    bq = jax.random.normal(k5, (H,), dtype=jnp.float32) * 0.01
    Wt = jax.random.normal(k6, (H, D), dtype=jnp.float32) * (1.0 / np.sqrt(D))
    bt = jax.random.normal(k7, (H,), dtype=jnp.float32) * 0.01
    return {"query_tokens": query_tokens, "title_tokens": title_tokens, "emb": emb, "Wq": Wq, "bq": bq, "Wt": Wt, "bt": bt}

def reference(query_tokens, title_tokens, emb, Wq, bq, Wt, bt):
    # query_vector: embedding lookup -> sum over tokens -> linear + tanh
    q_embeds = jnp.take(emb, query_tokens, axis=0)          # [B, LQ, D]
    q_sum = q_embeds.sum(axis=1)                            # [B, D]
    q_hidden = jnp.tanh(q_sum @ Wq.T + bq)                  # [B, H]
    # title_vector
    t_embeds = jnp.take(emb, title_tokens, axis=0)          # [B, LT, D]
    t_sum = t_embeds.sum(axis=1)                            # [B, D]
    t_hidden = jnp.tanh(t_sum @ Wt.T + bt)                  # [B, H]
    # cosine_similarity
    w12 = jnp.sum(q_hidden * t_hidden, axis=1)
    w1 = jnp.linalg.norm(q_hidden, ord=2, axis=1)
    w2 = jnp.linalg.norm(t_hidden, ord=2, axis=1)
    qt_cosine = (w12 / (w1 * w2 + 1e-12))[:, None]          # [B, 1]
    pred_score = (qt_cosine + 1.0) / 2.0
    return pred_score

if __name__ == "__main__":
    import jax
    _d = setup_inputs()
    print(jax.jit(kernel)(*tuple(_d.values())))

</pallas_src>

<mosaic_0001>
#map = affine_map<(d0, d1) -> (0, 0)>
module attributes {stable_mosaic.version = 14 : i64} {
  func.func @_sc_pool_body(%arg0: i32, %arg1: i32, %arg2: memref<4096x20xi32, #tpu.memory_space<hbm>>, %arg3: memref<4096x200xi32, #tpu.memory_space<hbm>>, %arg4: memref<1000x64xbf16, #tpu.memory_space<hbm>>, %arg5: memref<2048x128xf32, #tpu.memory_space<hbm>>, %arg6: memref<2048x128xf32, #tpu.memory_space<hbm>>, %arg7: memref<1000x64xbf16, #tpu.memory_space<vmem>>, %arg8: memref<2x128x20xi32, #tpu.memory_space<vmem>>, %arg9: memref<2x128x200xi32, #tpu.memory_space<vmem>>, %arg10: memref<2x64x128xf32, #tpu.memory_space<vmem>>, %arg11: memref<2x64x128xf32, #tpu.memory_space<vmem>>, %arg12: memref<!tpu.dma_semaphore, #tpu.memory_space<semaphore_mem>>, %arg13: memref<!tpu.dma_semaphore, #tpu.memory_space<semaphore_mem>>) attributes {dimension_semantics = [#tpu.dimension_semantics<core_parallel>, #tpu.dimension_semantics<subcore_parallel>], iteration_bounds = array<i64: 2, 16>, scalar_prefetch = 0 : i64, scratch_operands = 7 : i64, tpu.core_type = #tpu.core_type<sc_vector_subcore>, window_params = [{transform_indices = #map}, {transform_indices = #map}, {transform_indices = #map}, {transform_indices = #map}, {transform_indices = #map}]} {
    %mul3A = arith.constant 2 : i32
    %mul3A_0 = arith.muli %arg1, %mul3A : i32
    %add3A = arith.addi %mul3A_0, %arg0 : i32
    %mul3A_1 = arith.constant 128 : i32
    %mul3A_2 = arith.muli %add3A, %mul3A_1 : i32
    "tpu.region"() ({
      %run_scoped3A = tpu.sem_alloc : memref<!tpu.dma_semaphore, #tpu.memory_space<semaphore_mem>>
      tpu.enqueue_dma source(%arg4 : memref<1000x64xbf16, #tpu.memory_space<hbm>>) target(%arg7 : memref<1000x64xbf16, #tpu.memory_space<vmem>>) target_semaphore(%run_scoped3A : memref<!tpu.dma_semaphore, #tpu.memory_space<semaphore_mem>>)
      tpu.wait_dma2 semaphore(%run_scoped3A : memref<!tpu.dma_semaphore, #tpu.memory_space<semaphore_mem>>) src(%arg4 : memref<1000x64xbf16, #tpu.memory_space<hbm>>) dst(%arg7 : memref<1000x64xbf16, #tpu.memory_space<vmem>>)
      tpu.yield
    }) : () -> ()
    %iota3A = tpu.iota {dimensions = array<i32: 0>} : vector<16xi32>
    %broadcast_in_dim3A = arith.constant -65536 : i32
    %broadcast_in_dim3A_3 = vector.broadcast %broadcast_in_dim3A : i32 to vector<16xi32>
    %broadcast_in_dim3A_4 = arith.constant 0.000000e+00 : bf16
    %broadcast_in_dim3A_5 = vector.broadcast %broadcast_in_dim3A_4 : bf16 to vector<32xbf16>
    %add3A_6 = arith.constant 0 : i32
    %add3A_7 = arith.addi %mul3A_2, %add3A_6 : i32
    %dma_start3A = arith.constant 0 : i32
    %dma_start3A_8 = arith.constant 0 : i32
    %dma_start3A_9 = arith.constant 0 : i32
    %dma_start3A_10 = tpu.memref_slice %arg8[%dma_start3A, %dma_start3A_8, %dma_start3A_9] : memref<2x128x20xi32, #tpu.memory_space<vmem>> -> memref<1x128x20xi32, #tpu.memory_space<vmem>>
    %dma_start3A_11 = tpu.memref_squeeze %dma_start3A_10 : memref<1x128x20xi32, #tpu.memory_space<vmem>> -> memref<128x20xi32, #tpu.memory_space<vmem>>
    %dma_start3A_12 = arith.constant 0 : i32
    %dma_start3A_13 = tpu.memref_slice %arg2[%add3A_7, %dma_start3A_12] : memref<4096x20xi32, #tpu.memory_space<hbm>> -> memref<128x20xi32, #tpu.memory_space<hbm>>
    %dma_start3A_14 = arith.constant 0 : i32
    %dma_start3A_15 = arith.constant 0 : i32
    %dma_start3A_16 = tpu.memref_slice %arg8[%dma_start3A, %dma_start3A_14, %dma_start3A_15] : memref<2x128x20xi32, #tpu.memory_space<vmem>> -> memref<1x128x20xi32, #tpu.memory_space<vmem>>
    %dma_start3A_17 = tpu.memref_squeeze %dma_start3A_16 : memref<1x128x20xi32, #tpu.memory_space<vmem>> -> memref<128x20xi32, #tpu.memory_space<vmem>>
    %dma_start3A_18 = arith.constant 0 : i32
    %dma_start3A_19 = tpu.memref_slice %arg2[%add3A_7, %dma_start3A_18] : memref<4096x20xi32, #tpu.memory_space<hbm>> -> memref<128x20xi32, #tpu.memory_space<hbm>>
    tpu.enqueue_dma source(%dma_start3A_19 : memref<128x20xi32, #tpu.memory_space<hbm>>) target(%dma_start3A_17 : memref<128x20xi32, #tpu.memory_space<vmem>>) target_semaphore(%arg12 : memref<!tpu.dma_semaphore, #tpu.memory_space<semaphore_mem>>)
    %dma_start3A_20 = arith.constant 0 : i32
    %dma_start3A_21 = arith.constant 0 : i32
    %dma_start3A_22 = arith.constant 0 : i32
    %dma_start3A_23 = tpu.memref_slice %arg9[%dma_start3A_20, %dma_start3A_21, %dma_start3A_22] : memref<2x128x200xi32, #tpu.memory_space<vmem>> -> memref<1x128x200xi32, #tpu.memory_space<vmem>>
    %dma_start3A_24 = tpu.memref_squeeze %dma_start3A_23 : memref<1x128x200xi32, #tpu.memory_space<vmem>> -> memref<128x200xi32, #tpu.memory_space<vmem>>
    %dma_start3A_25 = arith.constant 0 : i32
    %dma_start3A_26 = tpu.memref_slice %arg3[%add3A_7, %dma_start3A_25] : memref<4096x200xi32, #tpu.memory_space<hbm>> -> memref<128x200xi32, #tpu.memory_space<hbm>>
    %dma_start3A_27 = arith.constant 0 : i32
    %dma_start3A_28 = arith.constant 0 : i32
    %dma_start3A_29 = tpu.memref_slice %arg9[%dma_start3A_20, %dma_start3A_27, %dma_start3A_28] : memref<2x128x200xi32, #tpu.memory_space<vmem>> -> memref<1x128x200xi32, #tpu.memory_space<vmem>>
    %dma_start3A_30 = tpu.memref_squeeze %dma_start3A_29 : memref<1x128x200xi32, #tpu.memory_space<vmem>> -> memref<128x200xi32, #tpu.memory_space<vmem>>
    %dma_start3A_31 = arith.constant 0 : i32
    %dma_start3A_32 = tpu.memref_slice %arg3[%add3A_7, %dma_start3A_31] : memref<4096x200xi32, #tpu.memory_space<hbm>> -> memref<128x200xi32, #tpu.memory_space<hbm>>
    tpu.enqueue_dma source(%dma_start3A_32 : memref<128x200xi32, #tpu.memory_space<hbm>>) target(%dma_start3A_30 : memref<128x200xi32, #tpu.memory_space<vmem>>) target_semaphore(%arg12 : memref<!tpu.dma_semaphore, #tpu.memory_space<semaphore_mem>>)
    %dma_wait3A = arith.constant 0 : i32
    %dma_wait3A_33 = arith.constant 0 : i32
    %dma_wait3A_34 = arith.constant 0 : i32
    %dma_wait3A_35 = tpu.memref_slice %arg8[%dma_wait3A, %dma_wait3A_33, %dma_wait3A_34] : memref<2x128x20xi32, #tpu.memory_space<vmem>> -> memref<1x128x20xi32, #tpu.memory_space<vmem>>
    %dma_wait3A_36 = tpu.memref_squeeze %dma_wait3A_35 : memref<1x128x20xi32, #tpu.memory_space<vmem>> -> memref<128x20xi32, #tpu.memory_space<vmem>>
    %dma_wait3A_37 = arith.constant 0 : i32
    %dma_wait3A_38 = tpu.memref_slice %arg2[%mul3A_2, %dma_wait3A_37] : memref<4096x20xi32, #tpu.memory_space<hbm>> -> memref<128x20xi32, #tpu.memory_space<hbm>>
    %dma_wait3A_39 = arith.constant 0 : i32
    %dma_wait3A_40 = arith.constant 0 : i32
    %dma_wait3A_41 = tpu.memref_slice %arg8[%dma_wait3A, %dma_wait3A_39, %dma_wait3A_40] : memref<2x128x20xi32, #tpu.memory_space<vmem>> -> memref<1x128x20xi32, #tpu.memory_space<vmem>>
    %dma_wait3A_42 = tpu.memref_squeeze %dma_wait3A_41 : memref<1x128x20xi32, #tpu.memory_space<vmem>> -> memref<128x20xi32, #tpu.memory_space<vmem>>
    %dma_wait3A_43 = arith.constant 0 : i32
    %dma_wait3A_44 = tpu.memref_slice %arg2[%mul3A_2, %dma_wait3A_43] : memref<4096x20xi32, #tpu.memory_space<hbm>> -> memref<128x20xi32, #tpu.memory_space<hbm>>
    tpu.wait_dma2 semaphore(%arg12 : memref<!tpu.dma_semaphore, #tpu.memory_space<semaphore_mem>>) src(%dma_wait3A_44 : memref<128x20xi32, #tpu.memory_space<hbm>>) dst(%dma_wait3A_42 : memref<128x20xi32, #tpu.memory_space<vmem>>)
    %dma_wait3A_45 = arith.constant 0 : i32
    %dma_wait3A_46 = arith.constant 0 : i32
    %dma_wait3A_47 = arith.constant 0 : i32
    %dma_wait3A_48 = tpu.memref_slice %arg9[%dma_wait3A_45, %dma_wait3A_46, %dma_wait3A_47] : memref<2x128x200xi32, #tpu.memory_space<vmem>> -> memref<1x128x200xi32, #tpu.memory_space<vmem>>
    %dma_wait3A_49 = tpu.memref_squeeze %dma_wait3A_48 : memref<1x128x200xi32, #tpu.memory_space<vmem>> -> memref<128x200xi32, #tpu.memory_space<vmem>>
    %dma_wait3A_50 = arith.constant 0 : i32
    %dma_wait3A_51 = tpu.memref_slice %arg3[%mul3A_2, %dma_wait3A_50] : memref<4096x200xi32, #tpu.memory_space<hbm>> -> memref<128x200xi32, #tpu.memory_space<hbm>>
    %dma_wait3A_52 = arith.constant 0 : i32
    %dma_wait3A_53 = arith.constant 0 : i32
    %dma_wait3A_54 = tpu.memref_slice %arg9[%dma_wait3A_45, %dma_wait3A_52, %dma_wait3A_53] : memref<2x128x200xi32, #tpu.memory_space<vmem>> -> memref<1x128x200xi32, #tpu.memory_space<vmem>>
    %dma_wait3A_55 = tpu.memref_squeeze %dma_wait3A_54 : memref<1x128x200xi32, #tpu.memory_space<vmem>> -> memref<128x200xi32, #tpu.memory_space<vmem>>
    %dma_wait3A_56 = arith.constant 0 : i32
    %dma_wait3A_57 = tpu.memref_slice %arg3[%mul3A_2, %dma_wait3A_56] : memref<4096x200xi32, #tpu.memory_space<hbm>> -> memref<128x200xi32, #tpu.memory_space<hbm>>
    tpu.wait_dma2 semaphore(%arg12 : memref<!tpu.dma_semaphore, #tpu.memory_space<semaphore_mem>>) src(%dma_wait3A_57 : memref<128x200xi32, #tpu.memory_space<hbm>>) dst(%dma_wait3A_55 : memref<128x200xi32, #tpu.memory_space<vmem>>)
    %scan3A = arith.constant 0 : i32
    %scan3A_58 = arith.constant 0 : i32
    %scan3A_59 = arith.constant 128 : i32
    %scan3A_60 = arith.addi %scan3A_58, %scan3A_59 : i32
    %scan3A_61 = arith.constant 1 : i32
    %scan3A_62 = scf.for %scan3A_182 = %scan3A_58 to %scan3A_60 step %scan3A_61 iter_args(%scan3A_183 = %scan3A) -> (i32)  : i32 {
      %broadcast_in_dim3A_184 = arith.constant 0.000000e+00 : f32
      %broadcast_in_dim3A_185 = vector.broadcast %broadcast_in_dim3A_184 : f32 to vector<16xf32>
      %scan3A_186 = arith.constant 0 : i32
      %scan3A_187 = arith.constant 0 : i32
      %mul3A_188 = arith.constant 16 : i32
      %mul3A_189 = arith.muli %scan3A_187, %mul3A_188 : i32
      %get3A = arith.constant 0 : i32
      %get3A_190 = arith.constant 0 : i32
      %get3A_191 = tpu.memref_slice %arg8[%scan3A_186, %get3A, %get3A_190] : memref<2x128x20xi32, #tpu.memory_space<vmem>> -> memref<1x128x20xi32, #tpu.memory_space<vmem>>
      %get3A_192 = tpu.memref_squeeze %get3A_191 : memref<1x128x20xi32, #tpu.memory_space<vmem>> -> memref<128x20xi32, #tpu.memory_space<vmem>>
      %get3A_193 = arith.index_cast %scan3A_182 : i32 to index
      %get3A_194 = arith.index_cast %mul3A_189 : i32 to index
      %get3A_195 = tpu.vector_load %get3A_192[%get3A_193, %get3A_194] {strides = array<i32>} : memref<128x20xi32, #tpu.memory_space<vmem>>, vector<16xi32>,
      %slice3A = vector.extract_strided_slice %get3A_195 {offsets = [0], sizes = [1], strides = [1]} : vector<16xi32> to vector<1xi32>
      %squeeze3A = vector.extract %slice3A[0] : i32 from vector<1xi32>
      %get3A_196 = arith.index_cast %squeeze3A : i32 to index
      %get3A_197 = arith.constant 0 : index
      %get3A_198 = tpu.vector_load %arg7[%get3A_196, %get3A_197] {strides = array<i32>} : memref<1000x64xbf16, #tpu.memory_space<vmem>>, vector<32xbf16>,
      %add3A_199 = arith.addf %broadcast_in_dim3A_5, %get3A_198 : vector<32xbf16>
      %get3A_200 = arith.index_cast %squeeze3A : i32 to index
      %get3A_201 = arith.constant 32 : index
      %get3A_202 = tpu.vector_load %arg7[%get3A_200, %get3A_201] {strides = array<i32>} : memref<1000x64xbf16, #tpu.memory_space<vmem>>, vector<32xbf16>,
      %add3A_203 = arith.addf %broadcast_in_dim3A_5, %get3A_202 : vector<32xbf16>
      %slice3A_204 = vector.extract_strided_slice %get3A_195 {offsets = [1], sizes = [1], strides = [1]} : vector<16xi32> to vector<1xi32>
      %squeeze3A_205 = vector.extract %slice3A_204[0] : i32 from vector<1xi32>
      %get3A_206 = arith.index_cast %squeeze3A_205 : i32 to index
      %get3A_207 = arith.constant 0 : index
      %get3A_208 = tpu.vector_load %arg7[%get3A_206, %get3A_207] {strides = array<i32>} : memref<1000x64xbf16, #tpu.memory_space<vmem>>, vector<32xbf16>,
      %add3A_209 = arith.addf %add3A_199, %get3A_208 : vector<32xbf16>
      %get3A_210 = arith.index_cast %squeeze3A_205 : i32 to index
      %get3A_211 = arith.constant 32 : index
      %get3A_212 = tpu.vector_load %arg7[%get3A_210, %get3A_211] {strides = array<i32>} : memref<1000x64xbf16, #tpu.memory_space<vmem>>, vector<32xbf16>,
      %add3A_213 = arith.addf %add3A_203, %get3A_212 : vector<32xbf16>
      %slice3A_214 = vector.extract_strided_slice %get3A_195 {offsets = [2], sizes = [1], strides = [1]} : vector<16xi32> to vector<1xi32>
      %squeeze3A_215 = vector.extract %slice3A_214[0] : i32 from vector<1xi32>
      %get3A_216 = arith.index_cast %squeeze3A_215 : i32 to index
      %get3A_217 = arith.constant 0 : index
      %get3A_218 = tpu.vector_load %arg7[%get3A_216, %get3A_217] {strides = array<i32>} : memref<1000x64xbf16, #tpu.memory_space<vmem>>, vector<32xbf16>,
      %add3A_219 = arith.addf %add3A_209, %get3A_218 : vector<32xbf16>
      %get3A_220 = arith.index_cast %squeeze3A_215 : i32 to index
      %get3A_221 = arith.constant 32 : index
      %get3A_222 = tpu.vector_load %arg7[%get3A_220, %get3A_221] {strides = array<i32>} : memref<1000x64xbf16, #tpu.memory_space<vmem>>, vector<32xbf16>,
      %add3A_223 = arith.addf %add3A_213, %get3A_222 : vector<32xbf16>
      %slice3A_224 = vector.extract_strided_slice %get3A_195 {offsets = [3], sizes = [1], strides = [1]} : vector<16xi32> to vector<1xi32>
      %squeeze3A_225 = vector.extract %slice3A_224[0] : i32 from vector<1xi32>
      %get3A_226 = arith.index_cast %squeeze3A_225 : i32 to index
      %get3A_227 = arith.constant 0 : index
      %get3A_228 = tpu.vector_load %arg7[%get3A_226, %get3A_227] {strides = array<i32>} : memref<1000x64xbf16, #tpu.memory_space<vmem>>, vector<32xbf16>,
      %add3A_229 = arith.addf %add3A_219, %get3A_228 : vector<32xbf16>
      %get3A_230 = arith.index_cast %squeeze3A_225 : i32 to index
      %get3A_231 = arith.constant 32 : index
      %get3A_232 = tpu.vector_load %arg7[%get3A_230, %get3A_231] {strides = array<i32>} : memref<1000x64xbf16, #tpu.memory_space<vmem>>, vector<32xbf16>,
      %add3A_233 = arith.addf %add3A_223, %get3A_232 : vector<32xbf16>
      %slice3A_234 = vector.extract_strided_slice %get3A_195 {offsets = [4], sizes = [1], strides = [1]} : vector<16xi32> to vector<1xi32>
      %squeeze3A_235 = vector.extract %slice3A_234[0] : i32 from vector<1xi32>
      %get3A_236 = arith.index_cast %squeeze3A_235 : i32 to index
      %get3A_237 = arith.constant 0 : index
      %get3A_238 = tpu.vector_load %arg7[%get3A_236, %get3A_237] {strides = array<i32>} : memref<1000x64xbf16, #tpu.memory_space<vmem>>, vector<32xbf16>,
      %add3A_239 = arith.addf %add3A_229, %get3A_238 : vector<32xbf16>
      %get3A_240 = arith.index_cast %squeeze3A_235 : i32 to index
      %get3A_241 = arith.constant 32 : index
      %get3A_242 = tpu.vector_load %arg7[%get3A_240, %get3A_241] {strides = array<i32>} : memref<1000x64xbf16, #tpu.memory_space<vmem>>, vector<32xbf16>,
      %add3A_243 = arith.addf %add3A_233, %get3A_242 : vector<32xbf16>
      %slice3A_244 = vector.extract_strided_slice %get3A_195 {offsets = [5], sizes = [1], strides = [1]} : vector<16xi32> to vector<1xi32>
      %squeeze3A_245 = vector.extract %slice3A_244[0] : i32 from vector<1xi32>
      %get3A_246 = arith.index_cast %squeeze3A_245 : i32 to index
      %get3A_247 = arith.constant 0 : index
      %get3A_248 = tpu.vector_load %arg7[%get3A_246, %get3A_247] {strides = array<i32>} : memref<1000x64xbf16, #tpu.memory_space<vmem>>, vector<32xbf16>,
      %add3A_249 = arith.addf %add3A_239, %get3A_248 : vector<32xbf16>
      %get3A_250 = arith.index_cast %squeeze3A_245 : i32 to index
      %get3A_251 = arith.constant 32 : index
      %get3A_252 = tpu.vector_load %arg7[%get3A_250, %get3A_251] {strides = array<i32>} : memref<1000x64xbf16, #tpu.memory_space<vmem>>, vector<32xbf16>,
      %add3A_253 = arith.addf %add3A_243, %get3A_252 : vector<32xbf16>
      %slice3A_254 = vector.extract_strided_slice %get3A_195 {offsets = [6], sizes = [1], strides = [1]} : vector<16xi32> to vector<1xi32>
      %squeeze3A_255 = vector.extract %slice3A_254[0] : i32 from vector<1xi32>
      %get3A_256 = arith.index_cast %squeeze3A_255 : i32 to index
      %get3A_257 = arith.constant 0 : index
      %get3A_258 = tpu.vector_load %arg7[%get3A_256, %get3A_257] {strides = array<i32>} : memref<1000x64xbf16, #tpu.memory_space<vmem>>, vector<32xbf16>,
      %add3A_259 = arith.addf %add3A_249, %get3A_258 : vector<32xbf16>
      %get3A_260 = arith.index_cast %squeeze3A_255 : i32 to index
      %get3A_261 = arith.constant 32 : index
      %get3A_262 = tpu.vector_load %arg7[%get3A_260, %get3A_261] {strides = array<i32>} : memref<1000x64xbf16, #tpu.memory_space<vmem>>, vector<32xbf16>,
      %add3A_263 = arith.addf %add3A_253, %get3A_262 : vector<32xbf16>
      %slice3A_264 = vector.extract_strided_slice %get3A_195 {offsets = [7], sizes = [1], strides = [1]} : vector<16xi32> to vector<1xi32>
      %squeeze3A_265 = vector.extract %slice3A_264[0] : i32 from vector<1xi32>
      %get3A_266 = arith.index_cast %squeeze3A_265 : i32 to index
      %get3A_267 = arith.constant 0 : index
      %get3A_268 = tpu.vector_load %arg7[%get3A_266, %get3A_267] {strides = array<i32>} : memref<1000x64xbf16, #tpu.memory_space<vmem>>, vector<32xbf16>,
      %add3A_269 = arith.addf %add3A_259, %get3A_268 : vector<32xbf16>
      %get3A_270 = arith.index_cast %squeeze3A_265 : i32 to index
      %get3A_271 = arith.constant 32 : index
      %get3A_272 = tpu.vector_load %arg7[%get3A_270, %get3A_271] {strides = array<i32>} : memref<1000x64xbf16, #tpu.memory_space<vmem>>, vector<32xbf16>,
      %add3A_273 = arith.addf %add3A_263, %get3A_272 : vector<32xbf16>
      %slice3A_274 = vector.extract_strided_slice %get3A_195 {offsets = [8], sizes = [1], strides = [1]} : vector<16xi32> to vector<1xi32>
      %squeeze3A_275 = vector.extract %slice3A_274[0] : i32 from vector<1xi32>
      %get3A_276 = arith.index_cast %squeeze3A_275 : i32 to index
      %get3A_277 = arith.constant 0 : index
      %get3A_278 = tpu.vector_load %arg7[%get3A_276, %get3A_277] {strides = array<i32>} : memref<1000x64xbf16, #tpu.memory_space<vmem>>, vector<32xbf16>,
      %add3A_279 = arith.addf %add3A_269, %get3A_278 : vector<32xbf16>
      %get3A_280 = arith.index_cast %squeeze3A_275 : i32 to index
      %get3A_281 = arith.constant 32 : index
      %get3A_282 = tpu.vector_load %arg7[%get3A_280, %get3A_281] {strides = array<i32>} : memref<1000x64xbf16, #tpu.memory_space<vmem>>, vector<32xbf16>,
      %add3A_283 = arith.addf %add3A_273, %get3A_282 : vector<32xbf16>
      %slice3A_284 = vector.extract_strided_slice %get3A_195 {offsets = [9], sizes = [1], strides = [1]} : vector<16xi32> to vector<1xi32>
      %squeeze3A_285 = vector.extract %slice3A_284[0] : i32 from vector<1xi32>
      %get3A_286 = arith.index_cast %squeeze3A_285 : i32 to index
      %get3A_287 = arith.constant 0 : index
      %get3A_288 = tpu.vector_load %arg7[%get3A_286, %get3A_287] {strides = array<i32>} : memref<1000x64xbf16, #tpu.memory_space<vmem>>, vector<32xbf16>,
      %add3A_289 = arith.addf %add3A_279, %get3A_288 : vector<32xbf16>
      %get3A_290 = arith.index_cast %squeeze3A_285 : i32 to index
      %get3A_291 = arith.constant 32 : index
      %get3A_292 = tpu.vector_load %arg7[%get3A_290, %get3A_291] {strides = array<i32>} : memref<1000x64xbf16, #tpu.memory_space<vmem>>, vector<32xbf16>,
      %add3A_293 = arith.addf %add3A_283, %get3A_292 : vector<32xbf16>
      %slice3A_294 = vector.extract_strided_slice %get3A_195 {offsets = [10], sizes = [1], strides = [1]} : vector<16xi32> to vector<1xi32>
      %squeeze3A_295 = vector.extract %slice3A_294[0] : i32 from vector<1xi32>
      %get3A_296 = arith.index_cast %squeeze3A_295 : i32 to index
      %get3A_297 = arith.constant 0 : index
      %get3A_298 = tpu.vector_load %arg7[%get3A_296, %get3A_297] {strides = array<i32>} : memref<1000x64xbf16, #tpu.memory_space<vmem>>, vector<32xbf16>,
      %add3A_299 = arith.addf %add3A_289, %get3A_298 : vector<32xbf16>
      %get3A_300 = arith.index_cast %squeeze3A_295 : i32 to index
      %get3A_301 = arith.constant 32 : index
      %get3A_302 = tpu.vector_load %arg7[%get3A_300, %get3A_301] {strides = array<i32>} : memref<1000x64xbf16, #tpu.memory_space<vmem>>, vector<32xbf16>,
      %add3A_303 = arith.addf %add3A_293, %get3A_302 : vector<32xbf16>
      %slice3A_304 = vector.extract_strided_slice %get3A_195 {offsets = [11], sizes = [1], strides = [1]} : vector<16xi32> to vector<1xi32>
      %squeeze3A_305 = vector.extract %slice3A_304[0] : i32 from vector<1xi32>
      %get3A_306 = arith.index_cast %squeeze3A_305 : i32 to index
      %get3A_307 = arith.constant 0 : index
      %get3A_308 = tpu.vector_load %arg7[%get3A_306, %get3A_307] {strides = array<i32>} : memref<1000x64xbf16, #tpu.memory_space<vmem>>, vector<32xbf16>,
      %add3A_309 = arith.addf %add3A_299, %get3A_308 : vector<32xbf16>
      %get3A_310 = arith.index_cast %squeeze3A_305 : i32 to index
      %get3A_311 = arith.constant 32 : index
      %get3A_312 = tpu.vector_load %arg7[%get3A_310, %get3A_311] {strides = array<i32>} : memref<1000x64xbf16, #tpu.memory_space<vmem>>, vector<32xbf16>,
      %add3A_313 = arith.addf %add3A_303, %get3A_312 : vector<32xbf16>
      %slice3A_314 = vector.extract_strided_slice %get3A_195 {offsets = [12], sizes = [1], strides = [1]} : vector<16xi32> to vector<1xi32>
      %squeeze3A_315 = vector.extract %slice3A_314[0] : i32 from vector<1xi32>
      %get3A_316 = arith.index_cast %squeeze3A_315 : i32 to index
      %get3A_317 = arith.constant 0 : index
      %get3A_318 = tpu.vector_load %arg7[%get3A_316, %get3A_317] {strides = array<i32>} : memref<1000x64xbf16, #tpu.memory_space<vmem>>, vector<32xbf16>,
      %add3A_319 = arith.addf %add3A_309, %get3A_318 : vector<32xbf16>
      %get3A_320 = arith.index_cast %squeeze3A_315 : i32 to index
      %get3A_321 = arith.constant 32 : index
      %get3A_322 = tpu.vector_load %arg7[%get3A_320, %get3A_321] {strides = array<i32>} : memref<1000x64xbf16, #tpu.memory_space<vmem>>, vector<32xbf16>,
      %add3A_323 = arith.addf %add3A_313, %get3A_322 : vector<32xbf16>
      %slice3A_324 = vector.extract_strided_slice %get3A_195 {offsets = [13], sizes = [1], strides = [1]} : vector<16xi32> to vector<1xi32>
      %squeeze3A_325 = vector.extract %slice3A_324[0] : i32 from vector<1xi32>
      %get3A_326 = arith.index_cast %squeeze3A_325 : i32 to index
      %get3A_327 = arith.constant 0 : index
      %get3A_328 = tpu.vector_load %arg7[%get3A_326, %get3A_327] {strides = array<i32>} : memref<1000x64xbf16, #tpu.memory_space<vmem>>, vector<32xbf16>,
      %add3A_329 = arith.addf %add3A_319, %get3A_328 : vector<32xbf16>
      %get3A_330 = arith.index_cast %squeeze3A_325 : i32 to index
      %get3A_331 = arith.constant 32 : index
      %get3A_332 = tpu.vector_load %arg7[%get3A_330, %get3A_331] {strides = array<i32>} : memref<1000x64xbf16, #tpu.memory_space<vmem>>, vector<32xbf16>,
      %add3A_333 = arith.addf %add3A_323, %get3A_332 : vector<32xbf16>
      %slice3A_334 = vector.extract_strided_slice %get3A_195 {offsets = [14], sizes = [1], strides = [1]} : vector<16xi32> to vector<1xi32>
      %squeeze3A_335 = vector.extract %slice3A_334[0] : i32 from vector<1xi32>
      %get3A_336 = arith.index_cast %squeeze3A_335 : i32 to index
      %get3A_337 = arith.constant 0 : index
      %get3A_338 = tpu.vector_load %arg7[%get3A_336, %get3A_337] {strides = array<i32>} : memref<1000x64xbf16, #tpu.memory_space<vmem>>, vector<32xbf16>,
      %add3A_339 = arith.addf %add3A_329, %get3A_338 : vector<32xbf16>
      %get3A_340 = arith.index_cast %squeeze3A_335 : i32 to index
      %get3A_341 = arith.constant 32 : index
      %get3A_342 = tpu.vector_load %arg7[%get3A_340, %get3A_341] {strides = array<i32>} : memref<1000x64xbf16, #tpu.memory_space<vmem>>, vector<32xbf16>,
      %add3A_343 = arith.addf %add3A_333, %get3A_342 : vector<32xbf16>
      %slice3A_344 = vector.extract_strided_slice %get3A_195 {offsets = [15], sizes = [1], strides = [1]} : vector<16xi32> to vector<1xi32>
      %squeeze3A_345 = vector.extract %slice3A_344[0] : i32 from vector<1xi32>
      %get3A_346 = arith.index_cast %squeeze3A_345 : i32 to index
      %get3A_347 = arith.constant 0 : index
      %get3A_348 = tpu.vector_load %arg7[%get3A_346, %get3A_347] {strides = array<i32>} : memref<1000x64xbf16, #tpu.memory_space<vmem>>, vector<32xbf16>,
      %add3A_349 = arith.addf %add3A_339, %get3A_348 : vector<32xbf16>
      %get3A_350 = arith.index_cast %squeeze3A_345 : i32 to index
      %get3A_351 = arith.constant 32 : index
      %get3A_352 = tpu.vector_load %arg7[%get3A_350, %get3A_351] {strides = array<i32>} : memref<1000x64xbf16, #tpu.memory_space<vmem>>, vector<32xbf16>,
      %add3A_353 = arith.addf %add3A_343, %get3A_352 : vector<32xbf16>
      %bitcast3A = vector.bitcast %add3A_349 : vector<32xbf16> to vector<16xi32>
      %bitcast3A_354 = vector.bitcast %add3A_353 : vector<32xbf16> to vector<16xi32>
      %shift_left3A = arith.constant 16 : i32
      %shift_left3A_355 = vector.broadcast %shift_left3A : i32 to vector<16xi32>
      %shift_left3A_356 = arith.shli %bitcast3A, %shift_left3A_355 : vector<16xi32>
      %bitcast3A_357 = vector.bitcast %shift_left3A_356 : vector<16xi32> to vector<16xf32>
      %add3A_358 = arith.addf %broadcast_in_dim3A_185, %bitcast3A_357 : vector<16xf32>
      %and3A_359 = arith.andi %bitcast3A, %broadcast_in_dim3A_3 : vector<16xi32>
      %bitcast3A_360 = vector.bitcast %and3A_359 : vector<16xi32> to vector<16xf32>
      %add3A_361 = arith.addf %broadcast_in_dim3A_185, %bitcast3A_360 : vector<16xf32>
      %shift_left3A_362 = arith.constant 16 : i32
      %shift_left3A_363 = vector.broadcast %shift_left3A_362 : i32 to vector<16xi32>
      %shift_left3A_364 = arith.shli %bitcast3A_354, %shift_left3A_363 : vector<16xi32>
      %bitcast3A_365 = vector.bitcast %shift_left3A_364 : vector<16xi32> to vector<16xf32>
      %add3A_366 = arith.addf %broadcast_in_dim3A_185, %bitcast3A_365 : vector<16xf32>
      %and3A_367 = arith.andi %bitcast3A_354, %broadcast_in_dim3A_3 : vector<16xi32>
      %bitcast3A_368 = vector.bitcast %and3A_367 : vector<16xi32> to vector<16xf32>
      %add3A_369 = arith.addf %broadcast_in_dim3A_185, %bitcast3A_368 : vector<16xf32>
      %scan3A_370 = arith.constant 1 : i32
      %get3A_371 = arith.constant 0 : i32
      %get3A_372 = arith.constant 0 : i32
      %get3A_373 = arith.constant 0 : i32
      %get3A_374 = tpu.memref_slice %arg8[%get3A_371, %get3A_372, %get3A_373] : memref<2x128x20xi32, #tpu.memory_space<vmem>> -> memref<1x128x20xi32, #tpu.memory_space<vmem>>
      %get3A_375 = tpu.memref_squeeze %get3A_374 : memref<1x128x20xi32, #tpu.memory_space<vmem>> -> memref<128x20xi32, #tpu.memory_space<vmem>>
      %get3A_376 = arith.index_cast %scan3A_182 : i32 to index
      %get3A_377 = arith.constant 4 : index
      %get3A_378 = tpu.vector_load %get3A_375[%get3A_376, %get3A_377] {strides = array<i32>} : memref<128x20xi32, #tpu.memory_space<vmem>>, vector<16xi32>,
      %ge3A = arith.constant 12 : i32
      %ge3A_379 = vector.broadcast %ge3A : i32 to vector<16xi32>
      %ge3A_380 = arith.cmpi sge, %iota3A, %ge3A_379 : vector<16xi32>
      %lt3A = arith.constant 16 : i32
      %lt3A_381 = vector.broadcast %lt3A : i32 to vector<16xi32>
      %lt3A_382 = arith.cmpi slt, %iota3A, %lt3A_381 : vector<16xi32>
      %and3A_383 = arith.andi %ge3A_380, %lt3A_382 : vector<16xi1>
      %jit3A_384 = arith.constant 0 : i32
      %broadcast_in_dim3A_385 = vector.broadcast %jit3A_384 : i32 to vector<16xi32>
      %select_n3A_386 = arith.select %and3A_383, %get3A_378, %broadcast_in_dim3A_385 : vector<16xi1>, vector<16xi32>
      %slice3A_387 = vector.extract_strided_slice %select_n3A_386 {offsets = [0], sizes = [1], strides = [1]} : vector<16xi32> to vector<1xi32>
      %squeeze3A_388 = vector.extract %slice3A_387[0] : i32 from vector<1xi32>
      %get3A_389 = arith.index_cast %squeeze3A_388 : i32 to index
      %get3A_390 = arith.constant 0 : index
      %get3A_391 = tpu.vector_load %arg7[%get3A_389, %get3A_390] {strides = array<i32>} : memref<1000x64xbf16, #tpu.memory_space<vmem>>, vector<32xbf16>,
      %add3A_392 = arith.addf %broadcast_in_dim3A_5, %get3A_391 : vector<32xbf16>
      %get3A_393 = arith.index_cast %squeeze3A_388 : i32 to index
      %get3A_394 = arith.constant 32 : index
      %get3A_395 = tpu.vector_load %arg7[%get3A_393, %get3A_394] {strides = array<i32>} : memref<1000x64xbf16, #tpu.memory_space<vmem>>, vector<32xbf16>,
      %add3A_396 = arith.addf %broadcast_in_dim3A_5, %get3A_395 : vector<32xbf16>
      %slice3A_397 = vector.extract_strided_slice %select_n3A_386 {offsets = [1], sizes = [1], strides = [1]} : vector<16xi32> to vector<1xi32>
      %squeeze3A_398 = vector.extract %slice3A_397[0] : i32 from vector<1xi32>
      %get3A_399 = arith.index_cast %squeeze3A_398 : i32 to index
      %get3A_400 = arith.constant 0 : index
      %get3A_401 = tpu.vector_load %arg7[%get3A_399, %get3A_400] {strides = array<i32>} : memref<1000x64xbf16, #tpu.memory_space<vmem>>, vector<32xbf16>,
      %add3A_402 = arith.addf %add3A_392, %get3A_401 : vector<32xbf16>
      %get3A_403 = arith.index_cast %squeeze3A_398 : i32 to index
      %get3A_404 = arith.constant 32 : index
      %get3A_405 = tpu.vector_load %arg7[%get3A_403, %get3A_404] {strides = array<i32>} : memref<1000x64xbf16, #tpu.memory_space<vmem>>, vector<32xbf16>,
      %add3A_406 = arith.addf %add3A_396, %get3A_405 : vector<32xbf16>
      %slice3A_407 = vector.extract_strided_slice %select_n3A_386 {offsets = [2], sizes = [1], strides = [1]} : vector<16xi32> to vector<1xi32>
      %squeeze3A_408 = vector.extract %slice3A_407[0] : i32 from vector<1xi32>
      %get3A_409 = arith.index_cast %squeeze3A_408 : i32 to index
      %get3A_410 = arith.constant 0 : index
      %get3A_411 = tpu.vector_load %arg7[%get3A_409, %get3A_410] {strides = array<i32>} : memref<1000x64xbf16, #tpu.memory_space<vmem>>, vector<32xbf16>,
      %add3A_412 = arith.addf %add3A_402, %get3A_411 : vector<32xbf16>
      %get3A_413 = arith.index_cast %squeeze3A_408 : i32 to index
      %get3A_414 = arith.constant 32 : index
      %get3A_415 = tpu.vector_load %arg7[%get3A_413, %get3A_414] {strides = array<i32>} : memref<1000x64xbf16, #tpu.memory_space<vmem>>, vector<32xbf16>,
      %add3A_416 = arith.addf %add3A_406, %get3A_415 : vector<32xbf16>
      %slice3A_417 = vector.extract_strided_slice %select_n3A_386 {offsets = [3], sizes = [1], strides = [1]} : vector<16xi32> to vector<1xi32>
      %squeeze3A_418 = vector.extract %slice3A_417[0] : i32 from vector<1xi32>
      %get3A_419 = arith.index_cast %squeeze3A_418 : i32 to index
      %get3A_420 = arith.constant 0 : index
      %get3A_421 = tpu.vector_load %arg7[%get3A_419, %get3A_420] {strides = array<i32>} : memref<1000x64xbf16, #tpu.memory_space<vmem>>, vector<32xbf16>,
      %add3A_422 = arith.addf %add3A_412, %get3A_421 : vector<32xbf16>
      %get3A_423 = arith.index_cast %squeeze3A_418 : i32 to index
      %get3A_424 = arith.constant 32 : index
      %get3A_425 = tpu.vector_load %arg7[%get3A_423, %get3A_424] {strides = array<i32>} : memref<1000x64xbf16, #tpu.memory_space<vmem>>, vector<32xbf16>,
      %add3A_426 = arith.addf %add3A_416, %get3A_425 : vector<32xbf16>
      %slice3A_427 = vector.extract_strided_slice %select_n3A_386 {offsets = [4], sizes = [1], strides = [1]} : vector<16xi32> to vector<1xi32>
      %squeeze3A_428 = vector.extract %slice3A_427[0] : i32 from vector<1xi32>
      %get3A_429 = arith.index_cast %squeeze3A_428 : i32 to index
      %get3A_430 = arith.constant 0 : index
      %get3A_431 = tpu.vector_load %arg7[%get3A_429, %get3A_430] {strides = array<i32>} : memref<1000x64xbf16, #tpu.memory_space<vmem>>, vector<32xbf16>,
      %add3A_432 = arith.addf %add3A_422, %get3A_431 : vector<32xbf16>
      %get3A_433 = arith.index_cast %squeeze3A_428 : i32 to index
      %get3A_434 = arith.constant 32 : index
      %get3A_435 = tpu.vector_load %arg7[%get3A_433, %get3A_434] {strides = array<i32>} : memref<1000x64xbf16, #tpu.memory_space<vmem>>, vector<32xbf16>,
      %add3A_436 = arith.addf %add3A_426, %get3A_435 : vector<32xbf16>
      %slice3A_437 = vector.extract_strided_slice %select_n3A_386 {offsets = [5], sizes = [1], strides = [1]} : vector<16xi32> to vector<1xi32>
      %squeeze3A_438 = vector.extract %slice3A_437[0] : i32 from vector<1xi32>
      %get3A_439 = arith.index_cast %squeeze3A_438 : i32 to index
      %get3A_440 = arith.constant 0 : index
      %get3A_441 = tpu.vector_load %arg7[%get3A_439, %get3A_440] {strides = array<i32>} : memref<1000x64xbf16, #tpu.memory_space<vmem>>, vector<32xbf16>,
      %add3A_442 = arith.addf %add3A_432, %get3A_441 : vector<32xbf16>
      %get3A_443 = arith.index_cast %squeeze3A_438 : i32 to index
      %get3A_444 = arith.constant 32 : index
      %get3A_445 = tpu.vector_load %arg7[%get3A_443, %get3A_444] {strides = array<i32>} : memref<1000x64xbf16, #tpu.memory_space<vmem>>, vector<32xbf16>,
      %add3A_446 = arith.addf %add3A_436, %get3A_445 : vector<32xbf16>
      %slice3A_447 = vector.extract_strided_slice %select_n3A_386 {offsets = [6], sizes = [1], strides = [1]} : vector<16xi32> to vector<1xi32>
      %squeeze3A_448 = vector.extract %slice3A_447[0] : i32 from vector<1xi32>
      %get3A_449 = arith.index_cast %squeeze3A_448 : i32 to index
      %get3A_450 = arith.constant 0 : index
      %get3A_451 = tpu.vector_load %arg7[%get3A_449, %get3A_450] {strides = array<i32>} : memref<1000x64xbf16, #tpu.memory_space<vmem>>, vector<32xbf16>,
      %add3A_452 = arith.addf %add3A_442, %get3A_451 : vector<32xbf16>
      %get3A_453 = arith.index_cast %squeeze3A_448 : i32 to index
      %get3A_454 = arith.constant 32 : index
      %get3A_455 = tpu.vector_load %arg7[%get3A_453, %get3A_454] {strides = array<i32>} : memref<1000x64xbf16, #tpu.memory_space<vmem>>, vector<32xbf16>,
      %add3A_456 = arith.addf %add3A_446, %get3A_455 : vector<32xbf16>
      %slice3A_457 = vector.extract_strided_slice %select_n3A_386 {offsets = [7], sizes = [1], strides = [1]} : vector<16xi32> to vector<1xi32>
      %squeeze3A_458 = vector.extract %slice3A_457[0] : i32 from vector<1xi32>
      %get3A_459 = arith.index_cast %squeeze3A_458 : i32 to index
      %get3A_460 = arith.constant 0 : index
      %get3A_461 = tpu.vector_load %arg7[%get3A_459, %get3A_460] {strides = array<i32>} : memref<1000x64xbf16, #tpu.memory_space<vmem>>, vector<32xbf16>,
      %add3A_462 = arith.addf %add3A_452, %get3A_461 : vector<32xbf16>
      %get3A_463 = arith.index_cast %squeeze3A_458 : i32 to index
      %get3A_464 = arith.constant 32 : index
      %get3A_465 = tpu.vector_load %arg7[%get3A_463, %get3A_464] {strides = array<i32>} : memref<1000x64xbf16, #tpu.memory_space<vmem>>, vector<32xbf16>,
      %add3A_466 = arith.addf %add3A_456, %get3A_465 : vector<32xbf16>
      %slice3A_467 = vector.extract_strided_slice %select_n3A_386 {offsets = [8], sizes = [1], strides = [1]} : vector<16xi32> to vector<1xi32>
      %squeeze3A_468 = vector.extract %slice3A_467[0] : i32 from vector<1xi32>
      %get3A_469 = arith.index_cast %squeeze3A_468 : i32 to index
      %get3A_470 = arith.constant 0 : index
      %get3A_471 = tpu.vector_load %arg7[%get3A_469, %get3A_470] {strides = array<i32>} : memref<1000x64xbf16, #tpu.memory_space<vmem>>, vector<32xbf16>,
      %add3A_472 = arith.addf %add3A_462, %get3A_471 : vector<32xbf16>
      %get3A_473 = arith.index_cast %squeeze3A_468 : i32 to index
      %get3A_474 = arith.constant 32 : index
      %get3A_475 = tpu.vector_load %arg7[%get3A_473, %get3A_474] {strides = array<i32>} : memref<1000x64xbf16, #tpu.memory_space<vmem>>, vector<32xbf16>,
      %add3A_476 = arith.addf %add3A_466, %get3A_475 : vector<32xbf16>
      %slice3A_477 = vector.extract_strided_slice %select_n3A_386 {offsets = [9], sizes = [1], strides = [1]} : vector<16xi32> to vector<1xi32>
      %squeeze3A_478 = vector.extract %slice3A_477[0] : i32 from vector<1xi32>
      %get3A_479 = arith.index_cast %squeeze3A_478 : i32 to index
      %get3A_480 = arith.constant 0 : index
      %get3A_481 = tpu.vector_load %arg7[%get3A_479, %get3A_480] {strides = array<i32>} : memref<1000x64xbf16, #tpu.memory_space<vmem>>, vector<32xbf16>,
      %add3A_482 = arith.addf %add3A_472, %get3A_481 : vector<32xbf16>
      %get3A_483 = arith.index_cast %squeeze3A_478 : i32 to index
      %get3A_484 = arith.constant 32 : index
      %get3A_485 = tpu.vector_load %arg7[%get3A_483, %get3A_484] {strides = array<i32>} : memref<1000x64xbf16, #tpu.memory_space<vmem>>, vector<32xbf16>,
      %add3A_486 = arith.addf %add3A_476, %get3A_485 : vector<32xbf16>
      %slice3A_487 = vector.extract_strided_slice %select_n3A_386 {offsets = [10], sizes = [1], strides = [1]} : vector<16xi32> to vector<1xi32>
      %squeeze3A_488 = vector.extract %slice3A_487[0] : i32 from vector<1xi32>
      %get3A_489 = arith.index_cast %squeeze3A_488 : i32 to index
      %get3A_490 = arith.constant 0 : index
      %get3A_491 = tpu.vector_load %arg7[%get3A_489, %get3A_490] {strides = array<i32>} : memref<1000x64xbf16, #tpu.memory_space<vmem>>, vector<32xbf16>,
      %add3A_492 = arith.addf %add3A_482, %get3A_491 : vector<32xbf16>
      %get3A_493 = arith.index_cast %squeeze3A_488 : i32 to index
      %get3A_494 = arith.constant 32 : index
      %get3A_495 = tpu.vector_load %arg7[%get3A_493, %get3A_494] {strides = array<i32>} : memref<1000x64xbf16, #tpu.memory_space<vmem>>, vector<32xbf16>,
      %add3A_496 = arith.addf %add3A_486, %get3A_495 : vector<32xbf16>
      %slice3A_497 = vector.extract_strided_slice %select_n3A_386 {offsets = [11], sizes = [1], strides = [1]} : vector<16xi32> to vector<1xi32>
      %squeeze3A_498 = vector.extract %slice3A_497[0] : i32 from vector<1xi32>
      %get3A_499 = arith.index_cast %squeeze3A_498 : i32 to index
      %get3A_500 = arith.constant 0 : index
      %get3A_501 = tpu.vector_load %arg7[%get3A_499, %get3A_500] {strides = array<i32>} : memref<1000x64xbf16, #tpu.memory_space<vmem>>, vector<32xbf16>,
      %add3A_502 = arith.addf %add3A_492, %get3A_501 : vector<32xbf16>
      %get3A_503 = arith.index_cast %squeeze3A_498 : i32 to index
      %get3A_504 = arith.constant 32 : index
      %get3A_505 = tpu.vector_load %arg7[%get3A_503, %get3A_504] {strides = array<i32>} : memref<1000x64xbf16, #tpu.memory_space<vmem>>, vector<32xbf16>,
      %add3A_506 = arith.addf %add3A_496, %get3A_505 : vector<32xbf16>
      %slice3A_507 = vector.extract_strided_slice %select_n3A_386 {offsets = [12], sizes = [1], strides = [1]} : vector<16xi32> to vector<1xi32>
      %squeeze3A_508 = vector.extract %slice3A_507[0] : i32 from vector<1xi32>
      %get3A_509 = arith.index_cast %squeeze3A_508 : i32 to index
      %get3A_510 = arith.constant 0 : index
      %get3A_511 = tpu.vector_load %arg7[%get3A_509, %get3A_510] {strides = array<i32>} : memref<1000x64xbf16, #tpu.memory_space<vmem>>, vector<32xbf16>,
      %add3A_512 = arith.addf %add3A_502, %get3A_511 : vector<32xbf16>
      %get3A_513 = arith.index_cast %squeeze3A_508 : i32 to index
      %get3A_514 = arith.constant 32 : index
      %get3A_515 = tpu.vector_load %arg7[%get3A_513, %get3A_514] {strides = array<i32>} : memref<1000x64xbf16, #tpu.memory_space<vmem>>, vector<32xbf16>,
      %add3A_516 = arith.addf %add3A_506, %get3A_515 : vector<32xbf16>
      %slice3A_517 = vector.extract_strided_slice %select_n3A_386 {offsets = [13], sizes = [1], strides = [1]} : vector<16xi32> to vector<1xi32>
      %squeeze3A_518 = vector.extract %slice3A_517[0] : i32 from vector<1xi32>
      %get3A_519 = arith.index_cast %squeeze3A_518 : i32 to index
      %get3A_520 = arith.constant 0 : index
      %get3A_521 = tpu.vector_load %arg7[%get3A_519, %get3A_520] {strides = array<i32>} : memref<1000x64xbf16, #tpu.memory_space<vmem>>, vector<32xbf16>,
      %add3A_522 = arith.addf %add3A_512, %get3A_521 : vector<32xbf16>
      %get3A_523 = arith.index_cast %squeeze3A_518 : i32 to index
      %get3A_524 = arith.constant 32 : index
      %get3A_525 = tpu.vector_load %arg7[%get3A_523, %get3A_524] {strides = array<i32>} : memref<1000x64xbf16, #tpu.memory_space<vmem>>, vector<32xbf16>,
      %add3A_526 = arith.addf %add3A_516, %get3A_525 : vector<32xbf16>
      %slice3A_527 = vector.extract_strided_slice %select_n3A_386 {offsets = [14], sizes = [1], strides = [1]} : vector<16xi32> to vector<1xi32>
      %squeeze3A_528 = vector.extract %slice3A_527[0] : i32 from vector<1xi32>
      %get3A_529 = arith.index_cast %squeeze3A_528 : i32 to index
      %get3A_530 = arith.constant 0 : index
      %get3A_531 = tpu.vector_load %arg7[%get3A_529, %get3A_530] {strides = array<i32>} : memref<1000x64xbf16, #tpu.memory_space<vmem>>, vector<32xbf16>,
      %add3A_532 = arith.addf %add3A_522, %get3A_531 : vector<32xbf16>
      %get3A_533 = arith.index_cast %squeeze3A_528 : i32 to index
      %get3A_534 = arith.constant 32 : index
      %get3A_535 = tpu.vector_load %arg7[%get3A_533, %get3A_534] {strides = array<i32>} : memref<1000x64xbf16, #tpu.memory_space<vmem>>, vector<32xbf16>,
      %add3A_536 = arith.addf %add3A_526, %get3A_535 : vector<32xbf16>
      %slice3A_537 = vector.extract_strided_slice %select_n3A_386 {offsets = [15], sizes = [1], strides = [1]} : vector<16xi32> to vector<1xi32>
      %squeeze3A_538 = vector.extract %slice3A_537[0] : i32 from vector<1xi32>
      %get3A_539 = arith.index_cast %squeeze3A_538 : i32 to index
      %get3A_540 = arith.constant 0 : index
      %get3A_541 = tpu.vector_load %arg7[%get3A_539, %get3A_540] {strides = array<i32>} : memref<1000x64xbf16, #tpu.memory_space<vmem>>, vector<32xbf16>,
      %add3A_542 = arith.addf %add3A_532, %get3A_541 : vector<32xbf16>
      %get3A_543 = arith.index_cast %squeeze3A_538 : i32 to index
      %get3A_544 = arith.constant 32 : index
      %get3A_545 = tpu.vector_load %arg7[%get3A_543, %get3A_544] {strides = array<i32>} : memref<1000x64xbf16, #tpu.memory_space<vmem>>, vector<32xbf16>,
      %add3A_546 = arith.addf %add3A_536, %get3A_545 : vector<32xbf16>
      %bitcast3A_547 = vector.bitcast %add3A_542 : vector<32xbf16> to vector<16xi32>
      %bitcast3A_548 = vector.bitcast %add3A_546 : vector<32xbf16> to vector<16xi32>
      %shift_left3A_549 = arith.constant 16 : i32
      %shift_left3A_550 = vector.broadcast %shift_left3A_549 : i32 to vector<16xi32>
      %shift_left3A_551 = arith.shli %bitcast3A_547, %shift_left3A_550 : vector<16xi32>
      %bitcast3A_552 = vector.bitcast %shift_left3A_551 : vector<16xi32> to vector<16xf32>
      %add3A_553 = arith.addf %add3A_358, %bitcast3A_552 : vector<16xf32>
      %and3A_554 = arith.andi %bitcast3A_547, %broadcast_in_dim3A_3 : vector<16xi32>
      %bitcast3A_555 = vector.bitcast %and3A_554 : vector<16xi32> to vector<16xf32>
      %add3A_556 = arith.addf %add3A_361, %bitcast3A_555 : vector<16xf32>
      %shift_left3A_557 = arith.constant 16 : i32
      %shift_left3A_558 = vector.broadcast %shift_left3A_557 : i32 to vector<16xi32>
      %shift_left3A_559 = arith.shli %bitcast3A_548, %shift_left3A_558 : vector<16xi32>
      %bitcast3A_560 = vector.bitcast %shift_left3A_559 : vector<16xi32> to vector<16xf32>
      %add3A_561 = arith.addf %add3A_366, %bitcast3A_560 : vector<16xf32>
      %and3A_562 = arith.andi %bitcast3A_548, %broadcast_in_dim3A_3 : vector<16xi32>
      %bitcast3A_563 = vector.bitcast %and3A_562 : vector<16xi32> to vector<16xf32>
      %add3A_564 = arith.addf %add3A_369, %bitcast3A_563 : vector<16xf32>
      %and3A_565 = arith.constant 1 : i32
      %and3A_566 = arith.andi %scan3A_182, %and3A_565 : i32
      %mul3A_567 = arith.constant 64 : i32
      %mul3A_568 = arith.muli %and3A_566, %mul3A_567 : i32
      %shift_right_arithmetic3A = arith.constant 1 : i32
      %shift_right_arithmetic3A_569 = arith.shrsi %scan3A_182, %shift_right_arithmetic3A : i32
      %add3A_570 = arith.constant 0 : i32
      %add3A_571 = arith.addi %mul3A_568, %add3A_570 : i32
      %swap3A = arith.constant 0 : i32
      %swap3A_572 = arith.constant 0 : i32
      %swap3A_573 = arith.constant 0 : i32
      %swap3A_574 = tpu.memref_slice %arg10[%swap3A, %swap3A_572, %swap3A_573] : memref<2x64x128xf32, #tpu.memory_space<vmem>> -> memref<1x64x128xf32, #tpu.memory_space<vmem>>
      %swap3A_575 = tpu.memref_squeeze %swap3A_574 : memref<1x64x128xf32, #tpu.memory_space<vmem>> -> memref<64x128xf32, #tpu.memory_space<vmem>>
      %swap3A_576 = arith.index_cast %shift_right_arithmetic3A_569 : i32 to index
      %swap3A_577 = arith.index_cast %add3A_571 : i32 to index
      %swap3A_578 = tpu.vector_load %swap3A_575[%swap3A_576, %swap3A_577] {strides = array<i32>} : memref<64x128xf32, #tpu.memory_space<vmem>>, vector<16xf32>,
      tpu.vector_store %swap3A_575[%swap3A_576, %swap3A_577], %add3A_553 {strides = array<i32>} : memref<64x128xf32, #tpu.memory_space<vmem>>, vector<16xf32>,
      %shift_right_arithmetic3A_579 = arith.constant 1 : i32
      %shift_right_arithmetic3A_580 = arith.shrsi %scan3A_182, %shift_right_arithmetic3A_579 : i32
      %add3A_581 = arith.constant 16 : i32
      %add3A_582 = arith.addi %mul3A_568, %add3A_581 : i32
      %swap3A_583 = arith.constant 0 : i32
      %swap3A_584 = arith.constant 0 : i32
      %swap3A_585 = arith.constant 0 : i32
      %swap3A_586 = tpu.memref_slice %arg10[%swap3A_583, %swap3A_584, %swap3A_585] : memref<2x64x128xf32, #tpu.memory_space<vmem>> -> memref<1x64x128xf32, #tpu.memory_space<vmem>>
      %swap3A_587 = tpu.memref_squeeze %swap3A_586 : memref<1x64x128xf32, #tpu.memory_space<vmem>> -> memref<64x128xf32, #tpu.memory_space<vmem>>
      %swap3A_588 = arith.index_cast %shift_right_arithmetic3A_580 : i32 to index
      %swap3A_589 = arith.index_cast %add3A_582 : i32 to index
      %swap3A_590 = tpu.vector_load %swap3A_587[%swap3A_588, %swap3A_589] {strides = array<i32>} : memref<64x128xf32, #tpu.memory_space<vmem>>, vector<16xf32>,
      tpu.vector_store %swap3A_587[%swap3A_588, %swap3A_589], %add3A_556 {strides = array<i32>} : memref<64x128xf32, #tpu.memory_space<vmem>>, vector<16xf32>,
      %shift_right_arithmetic3A_591 = arith.constant 1 : i32
      %shift_right_arithmetic3A_592 = arith.shrsi %scan3A_182, %shift_right_arithmetic3A_591 : i32
      %add3A_593 = arith.constant 32 : i32
      %add3A_594 = arith.addi %mul3A_568, %add3A_593 : i32
      %swap3A_595 = arith.constant 0 : i32
      %swap3A_596 = arith.constant 0 : i32
      %swap3A_597 = arith.constant 0 : i32
      %swap3A_598 = tpu.memref_slice %arg10[%swap3A_595, %swap3A_596, %swap3A_597] : memref<2x64x128xf32, #tpu.memory_space<vmem>> -> memref<1x64x128xf32, #tpu.memory_space<vmem>>
      %swap3A_599 = tpu.memref_squeeze %swap3A_598 : memref<1x64x128xf32, #tpu.memory_space<vmem>> -> memref<64x128xf32, #tpu.memory_space<vmem>>
      %swap3A_600 = arith.index_cast %shift_right_arithmetic3A_592 : i32 to index
      %swap3A_601 = arith.index_cast %add3A_594 : i32 to index
      %swap3A_602 = tpu.vector_load %swap3A_599[%swap3A_600, %swap3A_601] {strides = array<i32>} : memref<64x128xf32, #tpu.memory_space<vmem>>, vector<16xf32>,
      tpu.vector_store %swap3A_599[%swap3A_600, %swap3A_601], %add3A_561 {strides = array<i32>} : memref<64x128xf32, #tpu.memory_space<vmem>>, vector<16xf32>,
      %shift_right_arithmetic3A_603 = arith.constant 1 : i32
      %shift_right_arithmetic3A_604 = arith.shrsi %scan3A_182, %shift_right_arithmetic3A_603 : i32
      %add3A_605 = arith.constant 48 : i32
      %add3A_606 = arith.addi %mul3A_568, %add3A_605 : i32
      %swap3A_607 = arith.constant 0 : i32
      %swap3A_608 = arith.constant 0 : i32
      %swap3A_609 = arith.constant 0 : i32
      %swap3A_610 = tpu.memref_slice %arg10[%swap3A_607, %swap3A_608, %swap3A_609] : memref<2x64x128xf32, #tpu.memory_space<vmem>> -> memref<1x64x128xf32, #tpu.memory_space<vmem>>
      %swap3A_611 = tpu.memref_squeeze %swap3A_610 : memref<1x64x128xf32, #tpu.memory_space<vmem>> -> memref<64x128xf32, #tpu.memory_space<vmem>>
      %swap3A_612 = arith.index_cast %shift_right_arithmetic3A_604 : i32 to index
      %swap3A_613 = arith.index_cast %add3A_606 : i32 to index
      %swap3A_614 = tpu.vector_load %swap3A_611[%swap3A_612, %swap3A_613] {strides = array<i32>} : memref<64x128xf32, #tpu.memory_space<vmem>>, vector<16xf32>,
      tpu.vector_store %swap3A_611[%swap3A_612, %swap3A_613], %add3A_564 {strides = array<i32>} : memref<64x128xf32, #tpu.memory_space<vmem>>, vector<16xf32>,
      %broadcast_in_dim3A_615 = arith.constant 0.000000e+00 : f32
      %broadcast_in_dim3A_616 = vector.broadcast %broadcast_in_dim3A_615 : f32 to vector<16xf32>
      %scan3A_617 = arith.constant 0 : i32
      %scan3A_618 = arith.constant 0 : i32
      %scan3A_619 = arith.constant 12 : i32
      %scan3A_620 = arith.addi %scan3A_618, %scan3A_619 : i32
      %scan3A_621 = arith.constant 1 : i32
      %scan3A_622:4 = scf.for %scan3A_873 = %scan3A_618 to %scan3A_620 step %scan3A_621 iter_args(%scan3A_874 = %broadcast_in_dim3A_616, %scan3A_875 = %broadcast_in_dim3A_616, %scan3A_876 = %broadcast_in_dim3A_616, %scan3A_877 = %broadcast_in_dim3A_616) -> (vector<16xf32>, vector<16xf32>, vector<16xf32>, vector<16xf32>)  : i32 {
        %mul3A_878 = arith.constant 16 : i32
        %mul3A_879 = arith.muli %scan3A_873, %mul3A_878 : i32
        %get3A_880 = arith.constant 0 : i32
        %get3A_881 = arith.constant 0 : i32
        %get3A_882 = tpu.memref_slice %arg9[%scan3A_617, %get3A_880, %get3A_881] : memref<2x128x200xi32, #tpu.memory_space<vmem>> -> memref<1x128x200xi32, #tpu.memory_space<vmem>>
        %get3A_883 = tpu.memref_squeeze %get3A_882 : memref<1x128x200xi32, #tpu.memory_space<vmem>> -> memref<128x200xi32, #tpu.memory_space<vmem>>
        %get3A_884 = arith.index_cast %scan3A_182 : i32 to index
        %get3A_885 = arith.index_cast %mul3A_879 : i32 to index
        %get3A_886 = tpu.vector_load %get3A_883[%get3A_884, %get3A_885] {strides = array<i32>} : memref<128x200xi32, #tpu.memory_space<vmem>>, vector<16xi32>,
        %slice3A_887 = vector.extract_strided_slice %get3A_886 {offsets = [0], sizes = [1], strides = [1]} : vector<16xi32> to vector<1xi32>
        %squeeze3A_888 = vector.extract %slice3A_887[0] : i32 from vector<1xi32>
        %get3A_889 = arith.index_cast %squeeze3A_888 : i32 to index
        %get3A_890 = arith.constant 0 : index
        %get3A_891 = tpu.vector_load %arg7[%get3A_889, %get3A_890] {strides = array<i32>} : memref<1000x64xbf16, #tpu.memory_space<vmem>>, vector<32xbf16>,
        %add3A_892 = arith.addf %broadcast_in_dim3A_5, %get3A_891 : vector<32xbf16>
        %get3A_893 = arith.index_cast %squeeze3A_888 : i32 to index
        %get3A_894 = arith.constant 32 : index
        %get3A_895 = tpu.vector_load %arg7[%get3A_893, %get3A_894] {strides = array<i32>} : memref<1000x64xbf16, #tpu.memory_space<vmem>>, vector<32xbf16>,
        %add3A_896 = arith.addf %broadcast_in_dim3A_5, %get3A_895 : vector<32xbf16>
        %slice3A_897 = vector.extract_strided_slice %get3A_886 {offsets = [1], sizes = [1], strides = [1]} : vector<16xi32> to vector<1xi32>
        %squeeze3A_898 = vector.extract %slice3A_897[0] : i32 from vector<1xi32>
        %get3A_899 = arith.index_cast %squeeze3A_898 : i32 to index
        %get3A_900 = arith.constant 0 : index
        %get3A_901 = tpu.vector_load %arg7[%get3A_899, %get3A_900] {strides = array<i32>} : memref<1000x64xbf16, #tpu.memory_space<vmem>>, vector<32xbf16>,
        %add3A_902 = arith.addf %add3A_892, %get3A_901 : vector<32xbf16>
        %get3A_903 = arith.index_cast %squeeze3A_898 : i32 to index
        %get3A_904 = arith.constant 32 : index
        %get3A_905 = tpu.vector_load %arg7[%get3A_903, %get3A_904] {strides = array<i32>} : memref<1000x64xbf16, #tpu.memory_space<vmem>>, vector<32xbf16>,
        %add3A_906 = arith.addf %add3A_896, %get3A_905 : vector<32xbf16>
        %slice3A_907 = vector.extract_strided_slice %get3A_886 {offsets = [2], sizes = [1], strides = [1]} : vector<16xi32> to vector<1xi32>
        %squeeze3A_908 = vector.extract %slice3A_907[0] : i32 from vector<1xi32>
        %get3A_909 = arith.index_cast %squeeze3A_908 : i32 to index
        %get3A_910 = arith.constant 0 : index
        %get3A_911 = tpu.vector_load %arg7[%get3A_909, %get3A_910] {strides = array<i32>} : memref<1000x64xbf16, #tpu.memory_space<vmem>>, vector<32xbf16>,
        %add3A_912 = arith.addf %add3A_902, %get3A_911 : vector<32xbf16>
        %get3A_913 = arith.index_cast %squeeze3A_908 : i32 to index
        %get3A_914 = arith.constant 32 : index
        %get3A_915 = tpu.vector_load %arg7[%get3A_913, %get3A_914] {strides = array<i32>} : memref<1000x64xbf16, #tpu.memory_space<vmem>>, vector<32xbf16>,
        %add3A_916 = arith.addf %add3A_906, %get3A_915 : vector<32xbf16>
        %slice3A_917 = vector.extract_strided_slice %get3A_886 {offsets = [3], sizes = [1], strides = [1]} : vector<16xi32> to vector<1xi32>
        %squeeze3A_918 = vector.extract %slice3A_917[0] : i32 from vector<1xi32>
        %get3A_919 = arith.index_cast %squeeze3A_918 : i32 to index
        %get3A_920 = arith.constant 0 : index
        %get3A_921 = tpu.vector_load %arg7[%get3A_919, %get3A_920] {strides = array<i32>} : memref<1000x64xbf16, #tpu.memory_space<vmem>>, vector<32xbf16>,
        %add3A_922 = arith.addf %add3A_912, %get3A_921 : vector<32xbf16>
        %get3A_923 = arith.index_cast %squeeze3A_918 : i32 to index
        %get3A_924 = arith.constant 32 : index
        %get3A_925 = tpu.vector_load %arg7[%get3A_923, %get3A_924] {strides = array<i32>} : memref<1000x64xbf16, #tpu.memory_space<vmem>>, vector<32xbf16>,
        %add3A_926 = arith.addf %add3A_916, %get3A_925 : vector<32xbf16>
        %slice3A_927 = vector.extract_strided_slice %get3A_886 {offsets = [4], sizes = [1], strides = [1]} : vector<16xi32> to vector<1xi32>
        %squeeze3A_928 = vector.extract %slice3A_927[0] : i32 from vector<1xi32>
        %get3A_929 = arith.index_cast %squeeze3A_928 : i32 to index
        %get3A_930 = arith.constant 0 : index
        %get3A_931 = tpu.vector_load %arg7[%get3A_929, %get3A_930] {strides = array<i32>} : memref<1000x64xbf16, #tpu.memory_space<vmem>>, vector<32xbf16>,
        %add3A_932 = arith.addf %add3A_922, %get3A_931 : vector<32xbf16>
        %get3A_933 = arith.index_cast %squeeze3A_928 : i32 to index
        %get3A_934 = arith.constant 32 : index
        %get3A_935 = tpu.vector_load %arg7[%get3A_933, %get3A_934] {strides = array<i32>} : memref<1000x64xbf16, #tpu.memory_space<vmem>>, vector<32xbf16>,
        %add3A_936 = arith.addf %add3A_926, %get3A_935 : vector<32xbf16>
        %slice3A_937 = vector.extract_strided_slice %get3A_886 {offsets = [5], sizes = [1], strides = [1]} : vector<16xi32> to vector<1xi32>
        %squeeze3A_938 = vector.extract %slice3A_937[0] : i32 from vector<1xi32>
        %get3A_939 = arith.index_cast %squeeze3A_938 : i32 to index
        %get3A_940 = arith.constant 0 : index
        %get3A_941 = tpu.vector_load %arg7[%get3A_939, %get3A_940] {strides = array<i32>} : memref<1000x64xbf16, #tpu.memory_space<vmem>>, vector<32xbf16>,
        %add3A_942 = arith.addf %add3A_932, %get3A_941 : vector<32xbf16>
        %get3A_943 = arith.index_cast %squeeze3A_938 : i32 to index
        %get3A_944 = arith.constant 32 : index
        %get3A_945 = tpu.vector_load %arg7[%get3A_943, %get3A_944] {strides = array<i32>} : memref<1000x64xbf16, #tpu.memory_space<vmem>>, vector<32xbf16>,
        %add3A_946 = arith.addf %add3A_936, %get3A_945 : vector<32xbf16>
        %slice3A_947 = vector.extract_strided_slice %get3A_886 {offsets = [6], sizes = [1], strides = [1]} : vector<16xi32> to vector<1xi32>
        %squeeze3A_948 = vector.extract %slice3A_947[0] : i32 from vector<1xi32>
        %get3A_949 = arith.index_cast %squeeze3A_948 : i32 to index
        %get3A_950 = arith.constant 0 : index
        %get3A_951 = tpu.vector_load %arg7[%get3A_949, %get3A_950] {strides = array<i32>} : memref<1000x64xbf16, #tpu.memory_space<vmem>>, vector<32xbf16>,
        %add3A_952 = arith.addf %add3A_942, %get3A_951 : vector<32xbf16>
        %get3A_953 = arith.index_cast %squeeze3A_948 : i32 to index
        %get3A_954 = arith.constant 32 : index
        %get3A_955 = tpu.vector_load %arg7[%get3A_953, %get3A_954] {strides = array<i32>} : memref<1000x64xbf16, #tpu.memory_space<vmem>>, vector<32xbf16>,
        %add3A_956 = arith.addf %add3A_946, %get3A_955 : vector<32xbf16>
        %slice3A_957 = vector.extract_strided_slice %get3A_886 {offsets = [7], sizes = [1], strides = [1]} : vector<16xi32> to vector<1xi32>
        %squeeze3A_958 = vector.extract %slice3A_957[0] : i32 from vector<1xi32>
        %get3A_959 = arith.index_cast %squeeze3A_958 : i32 to index
        %get3A_960 = arith.constant 0 : index
        %get3A_961 = tpu.vector_load %arg7[%get3A_959, %get3A_960] {strides = array<i32>} : memref<1000x64xbf16, #tpu.memory_space<vmem>>, vector<32xbf16>,
        %add3A_962 = arith.addf %add3A_952, %get3A_961 : vector<32xbf16>
        %get3A_963 = arith.index_cast %squeeze3A_958 : i32 to index
        %get3A_964 = arith.constant 32 : index
        %get3A_965 = tpu.vector_load %arg7[%get3A_963, %get3A_964] {strides = array<i32>} : memref<1000x64xbf16, #tpu.memory_space<vmem>>, vector<32xbf16>,
        %add3A_966 = arith.addf %add3A_956, %get3A_965 : vector<32xbf16>
        %slice3A_967 = vector.extract_strided_slice %get3A_886 {offsets = [8], sizes = [1], strides = [1]} : vector<16xi32> to vector<1xi32>
        %squeeze3A_968 = vector.extract %slice3A_967[0] : i32 from vector<1xi32>
        %get3A_969 = arith.index_cast %squeeze3A_968 : i32 to index
        %get3A_970 = arith.constant 0 : index
        %get3A_971 = tpu.vector_load %arg7[%get3A_969, %get3A_970] {strides = array<i32>} : memref<1000x64xbf16, #tpu.memory_space<vmem>>, vector<32xbf16>,
        %add3A_972 = arith.addf %add3A_962, %get3A_971 : vector<32xbf16>
        %get3A_973 = arith.index_cast %squeeze3A_968 : i32 to index
        %get3A_974 = arith.constant 32 : index
        %get3A_975 = tpu.vector_load %arg7[%get3A_973, %get3A_974] {strides = array<i32>} : memref<1000x64xbf16, #tpu.memory_space<vmem>>, vector<32xbf16>,
        %add3A_976 = arith.addf %add3A_966, %get3A_975 : vector<32xbf16>
        %slice3A_977 = vector.extract_strided_slice %get3A_886 {offsets = [9], sizes = [1], strides = [1]} : vector<16xi32> to vector<1xi32>
        %squeeze3A_978 = vector.extract %slice3A_977[0] : i32 from vector<1xi32>
        %get3A_979 = arith.index_cast %squeeze3A_978 : i32 to index
        %get3A_980 = arith.constant 0 : index
        %get3A_981 = tpu.vector_load %arg7[%get3A_979, %get3A_980] {strides = array<i32>} : memref<1000x64xbf16, #tpu.memory_space<vmem>>, vector<32xbf16>,
        %add3A_982 = arith.addf %add3A_972, %get3A_981 : vector<32xbf16>
        %get3A_983 = arith.index_cast %squeeze3A_978 : i32 to index
        %get3A_984 = arith.constant 32 : index
        %get3A_985 = tpu.vector_load %arg7[%get3A_983, %get3A_984] {strides = array<i32>} : memref<1000x64xbf16, #tpu.memory_space<vmem>>, vector<32xbf16>,
        %add3A_986 = arith.addf %add3A_976, %get3A_985 : vector<32xbf16>
        %slice3A_987 = vector.extract_strided_slice %get3A_886 {offsets = [10], sizes = [1], strides = [1]} : vector<16xi32> to vector<1xi32>
        %squeeze3A_988 = vector.extract %slice3A_987[0] : i32 from vector<1xi32>
        %get3A_989 = arith.index_cast %squeeze3A_988 : i32 to index
        %get3A_990 = arith.constant 0 : index
        %get3A_991 = tpu.vector_load %arg7[%get3A_989, %get3A_990] {strides = array<i32>} : memref<1000x64xbf16, #tpu.memory_space<vmem>>, vector<32xbf16>,
        %add3A_992 = arith.addf %add3A_982, %get3A_991 : vector<32xbf16>
        %get3A_993 = arith.index_cast %squeeze3A_988 : i32 to index
        %get3A_994 = arith.constant 32 : index
        %get3A_995 = tpu.vector_load %arg7[%get3A_993, %get3A_994] {strides = array<i32>} : memref<1000x64xbf16, #tpu.memory_space<vmem>>, vector<32xbf16>,
        %add3A_996 = arith.addf %add3A_986, %get3A_995 : vector<32xbf16>
        %slice3A_997 = vector.extract_strided_slice %get3A_886 {offsets = [11], sizes = [1], strides = [1]} : vector<16xi32> to vector<1xi32>
        %squeeze3A_998 = vector.extract %slice3A_997[0] : i32 from vector<1xi32>
        %get3A_999 = arith.index_cast %squeeze3A_998 : i32 to index
        %get3A_1000 = arith.constant 0 : index
        %get3A_1001 = tpu.vector_load %arg7[%get3A_999, %get3A_1000] {strides = array<i32>} : memref<1000x64xbf16, #tpu.memory_space<vmem>>, vector<32xbf16>,
        %add3A_1002 = arith.addf %add3A_992, %get3A_1001 : vector<32xbf16>
        %get3A_1003 = arith.index_cast %squeeze3A_998 : i32 to index
        %get3A_1004 = arith.constant 32 : index
        %get3A_1005 = tpu.vector_load %arg7[%get3A_1003, %get3A_1004] {strides = array<i32>} : memref<1000x64xbf16, #tpu.memory_space<vmem>>, vector<32xbf16>,
        %add3A_1006 = arith.addf %add3A_996, %get3A_1005 : vector<32xbf16>
        %slice3A_1007 = vector.extract_strided_slice %get3A_886 {offsets = [12], sizes = [1], strides = [1]} : vector<16xi32> to vector<1xi32>
        %squeeze3A_1008 = vector.extract %slice3A_1007[0] : i32 from vector<1xi32>
        %get3A_1009 = arith.index_cast %squeeze3A_1008 : i32 to index
        %get3A_1010 = arith.constant 0 : index
        %get3A_1011 = tpu.vector_load %arg7[%get3A_1009, %get3A_1010] {strides = array<i32>} : memref<1000x64xbf16, #tpu.memory_space<vmem>>, vector<32xbf16>,
        %add3A_1012 = arith.addf %add3A_1002, %get3A_1011 : vector<32xbf16>
        %get3A_1013 = arith.index_cast %squeeze3A_1008 : i32 to index
        %get3A_1014 = arith.constant 32 : index
        %get3A_1015 = tpu.vector_load %arg7[%get3A_1013, %get3A_1014] {strides = array<i32>} : memref<1000x64xbf16, #tpu.memory_space<vmem>>, vector<32xbf16>,
        %add3A_1016 = arith.addf %add3A_1006, %get3A_1015 : vector<32xbf16>
        %slice3A_1017 = vector.extract_strided_slice %get3A_886 {offsets = [13], sizes = [1], strides = [1]} : vector<16xi32> to vector<1xi32>
        %squeeze3A_1018 = vector.extract %slice3A_1017[0] : i32 from vector<1xi32>
        %get3A_1019 = arith.index_cast %squeeze3A_1018 : i32 to index
        %get3A_1020 = arith.constant 0 : index
        %get3A_1021 = tpu.vector_load %arg7[%get3A_1019, %get3A_1020] {strides = array<i32>} : memref<1000x64xbf16, #tpu.memory_space<vmem>>, vector<32xbf16>,
        %add3A_1022 = arith.addf %add3A_1012, %get3A_1021 : vector<32xbf16>
        %get3A_1023 = arith.index_cast %squeeze3A_1018 : i32 to index
        %get3A_1024 = arith.constant 32 : index
        %get3A_1025 = tpu.vector_load %arg7[%get3A_1023, %get3A_1024] {strides = array<i32>} : memref<1000x64xbf16, #tpu.memory_space<vmem>>, vector<32xbf16>,
        %add3A_1026 = arith.addf %add3A_1016, %get3A_1025 : vector<32xbf16>
        %slice3A_1027 = vector.extract_strided_slice %get3A_886 {offsets = [14], sizes = [1], strides = [1]} : vector<16xi32> to vector<1xi32>
        %squeeze3A_1028 = vector.extract %slice3A_1027[0] : i32 from vector<1xi32>
        %get3A_1029 = arith.index_cast %squeeze3A_1028 : i32 to index
        %get3A_1030 = arith.constant 0 : index
        %get3A_1031 = tpu.vector_load %arg7[%get3A_1029, %get3A_1030] {strides = array<i32>} : memref<1000x64xbf16, #tpu.memory_space<vmem>>, vector<32xbf16>,
        %add3A_1032 = arith.addf %add3A_1022, %get3A_1031 : vector<32xbf16>
        %get3A_1033 = arith.index_cast %squeeze3A_1028 : i32 to index
        %get3A_1034 = arith.constant 32 : index
        %get3A_1035 = tpu.vector_load %arg7[%get3A_1033, %get3A_1034] {strides = array<i32>} : memref<1000x64xbf16, #tpu.memory_space<vmem>>, vector<32xbf16>,
        %add3A_1036 = arith.addf %add3A_1026, %get3A_1035 : vector<32xbf16>
        %slice3A_1037 = vector.extract_strided_slice %get3A_886 {offsets = [15], sizes = [1], strides = [1]} : vector<16xi32> to vector<1xi32>
        %squeeze3A_1038 = vector.extract %slice3A_1037[0] : i32 from vector<1xi32>
        %get3A_1039 = arith.index_cast %squeeze3A_1038 : i32 to index
        %get3A_1040 = arith.constant 0 : index
        %get3A_1041 = tpu.vector_load %arg7[%get3A_1039, %get3A_1040] {strides = array<i32>} : memref<1000x64xbf16, #tpu.memory_space<vmem>>, vector<32xbf16>,
        %add3A_1042 = arith.addf %add3A_1032, %get3A_1041 : vector<32xbf16>
        %get3A_1043 = arith.index_cast %squeeze3A_1038 : i32 to index
        %get3A_1044 = arith.constant 32 : index
        %get3A_1045 = tpu.vector_load %arg7[%get3A_1043, %get3A_1044] {strides = array<i32>} : memref<1000x64xbf16, #tpu.memory_space<vmem>>, vector<32xbf16>,
        %add3A_1046 = arith.addf %add3A_1036, %get3A_1045 : vector<32xbf16>
        %bitcast3A_1047 = vector.bitcast %add3A_1042 : vector<32xbf16> to vector<16xi32>
        %bitcast3A_1048 = vector.bitcast %add3A_1046 : vector<32xbf16> to vector<16xi32>
        %shift_left3A_1049 = arith.constant 16 : i32
        %shift_left3A_1050 = vector.broadcast %shift_left3A_1049 : i32 to vector<16xi32>
        %shift_left3A_1051 = arith.shli %bitcast3A_1047, %shift_left3A_1050 : vector<16xi32>
        %bitcast3A_1052 = vector.bitcast %shift_left3A_1051 : vector<16xi32> to vector<16xf32>
        %add3A_1053 = arith.addf %scan3A_874, %bitcast3A_1052 : vector<16xf32>
        %and3A_1054 = arith.andi %bitcast3A_1047, %broadcast_in_dim3A_3 : vector<16xi32>
        %bitcast3A_1055 = vector.bitcast %and3A_1054 : vector<16xi32> to vector<16xf32>
        %add3A_1056 = arith.addf %scan3A_875, %bitcast3A_1055 : vector<16xf32>
        %shift_left3A_1057 = arith.constant 16 : i32
        %shift_left3A_1058 = vector.broadcast %shift_left3A_1057 : i32 to vector<16xi32>
        %shift_left3A_1059 = arith.shli %bitcast3A_1048, %shift_left3A_1058 : vector<16xi32>
        %bitcast3A_1060 = vector.bitcast %shift_left3A_1059 : vector<16xi32> to vector<16xf32>
        %add3A_1061 = arith.addf %scan3A_876, %bitcast3A_1060 : vector<16xf32>
        %and3A_1062 = arith.andi %bitcast3A_1048, %broadcast_in_dim3A_3 : vector<16xi32>
        %bitcast3A_1063 = vector.bitcast %and3A_1062 : vector<16xi32> to vector<16xf32>
        %add3A_1064 = arith.addf %scan3A_877, %bitcast3A_1063 : vector<16xf32>
        scf.yield %add3A_1053, %add3A_1056, %add3A_1061, %add3A_1064 : vector<16xf32>, vector<16xf32>, vector<16xf32>, vector<16xf32>
      }
      %scan3A_623 = arith.constant 12 : i32
      %get3A_624 = arith.constant 0 : i32
      %get3A_625 = arith.constant 0 : i32
      %get3A_626 = arith.constant 0 : i32
      %get3A_627 = tpu.memref_slice %arg9[%get3A_624, %get3A_625, %get3A_626] : memref<2x128x200xi32, #tpu.memory_space<vmem>> -> memref<1x128x200xi32, #tpu.memory_space<vmem>>
      %get3A_628 = tpu.memref_squeeze %get3A_627 : memref<1x128x200xi32, #tpu.memory_space<vmem>> -> memref<128x200xi32, #tpu.memory_space<vmem>>
      %get3A_629 = arith.index_cast %scan3A_182 : i32 to index
      %get3A_630 = arith.constant 184 : index
      %get3A_631 = tpu.vector_load %get3A_628[%get3A_629, %get3A_630] {strides = array<i32>} : memref<128x200xi32, #tpu.memory_space<vmem>>, vector<16xi32>,
      %ge3A_632 = arith.constant 8 : i32
      %ge3A_633 = vector.broadcast %ge3A_632 : i32 to vector<16xi32>
      %ge3A_634 = arith.cmpi sge, %iota3A, %ge3A_633 : vector<16xi32>
      %lt3A_635 = arith.constant 16 : i32
      %lt3A_636 = vector.broadcast %lt3A_635 : i32 to vector<16xi32>
      %lt3A_637 = arith.cmpi slt, %iota3A, %lt3A_636 : vector<16xi32>
      %and3A_638 = arith.andi %ge3A_634, %lt3A_637 : vector<16xi1>
      %jit3A_639 = arith.constant 0 : i32
      %broadcast_in_dim3A_640 = vector.broadcast %jit3A_639 : i32 to vector<16xi32>
      %select_n3A_641 = arith.select %and3A_638, %get3A_631, %broadcast_in_dim3A_640 : vector<16xi1>, vector<16xi32>
      %slice3A_642 = vector.extract_strided_slice %select_n3A_641 {offsets = [0], sizes = [1], strides = [1]} : vector<16xi32> to vector<1xi32>
      %squeeze3A_643 = vector.extract %slice3A_642[0] : i32 from vector<1xi32>
      %get3A_644 = arith.index_cast %squeeze3A_643 : i32 to index
      %get3A_645 = arith.constant 0 : index
      %get3A_646 = tpu.vector_load %arg7[%get3A_644, %get3A_645] {strides = array<i32>} : memref<1000x64xbf16, #tpu.memory_space<vmem>>, vector<32xbf16>,
      %add3A_647 = arith.addf %broadcast_in_dim3A_5, %get3A_646 : vector<32xbf16>
      %get3A_648 = arith.index_cast %squeeze3A_643 : i32 to index
      %get3A_649 = arith.constant 32 : index
      %get3A_650 = tpu.vector_load %arg7[%get3A_648, %get3A_649] {strides = array<i32>} : memref<1000x64xbf16, #tpu.memory_space<vmem>>, vector<32xbf16>,
      %add3A_651 = arith.addf %broadcast_in_dim3A_5, %get3A_650 : vector<32xbf16>
      %slice3A_652 = vector.extract_strided_slice %select_n3A_641 {offsets = [1], sizes = [1], strides = [1]} : vector<16xi32> to vector<1xi32>
      %squeeze3A_653 = vector.extract %slice3A_652[0] : i32 from vector<1xi32>
      %get3A_654 = arith.index_cast %squeeze3A_653 : i32 to index
      %get3A_655 = arith.constant 0 : index
      %get3A_656 = tpu.vector_load %arg7[%get3A_654, %get3A_655] {strides = array<i32>} : memref<1000x64xbf16, #tpu.memory_space<vmem>>, vector<32xbf16>,
      %add3A_657 = arith.addf %add3A_647, %get3A_656 : vector<32xbf16>
      %get3A_658 = arith.index_cast %squeeze3A_653 : i32 to index
      %get3A_659 = arith.constant 32 : index
      %get3A_660 = tpu.vector_load %arg7[%get3A_658, %get3A_659] {strides = array<i32>} : memref<1000x64xbf16, #tpu.memory_space<vmem>>, vector<32xbf16>,
      %add3A_661 = arith.addf %add3A_651, %get3A_660 : vector<32xbf16>
      %slice3A_662 = vector.extract_strided_slice %select_n3A_641 {offsets = [2], sizes = [1], strides = [1]} : vector<16xi32> to vector<1xi32>
      %squeeze3A_663 = vector.extract %slice3A_662[0] : i32 from vector<1xi32>
      %get3A_664 = arith.index_cast %squeeze3A_663 : i32 to index
      %get3A_665 = arith.constant 0 : index
      %get3A_666 = tpu.vector_load %arg7[%get3A_664, %get3A_665] {strides = array<i32>} : memref<1000x64xbf16, #tpu.memory_space<vmem>>, vector<32xbf16>,
      %add3A_667 = arith.addf %add3A_657, %get3A_666 : vector<32xbf16>
      %get3A_668 = arith.index_cast %squeeze3A_663 : i32 to index
      %get3A_669 = arith.constant 32 : index
      %get3A_670 = tpu.vector_load %arg7[%get3A_668, %get3A_669] {strides = array<i32>} : memref<1000x64xbf16, #tpu.memory_space<vmem>>, vector<32xbf16>,
      %add3A_671 = arith.addf %add3A_661, %get3A_670 : vector<32xbf16>
      %slice3A_672 = vector.extract_strided_slice %select_n3A_641 {offsets = [3], sizes = [1], strides = [1]} : vector<16xi32> to vector<1xi32>
      %squeeze3A_673 = vector.extract %slice3A_672[0] : i32 from vector<1xi32>
      %get3A_674 = arith.index_cast %squeeze3A_673 : i32 to index
      %get3A_675 = arith.constant 0 : index
      %get3A_676 = tpu.vector_load %arg7[%get3A_674, %get3A_675] {strides = array<i32>} : memref<1000x64xbf16, #tpu.memory_space<vmem>>, vector<32xbf16>,
      %add3A_677 = arith.addf %add3A_667, %get3A_676 : vector<32xbf16>
      %get3A_678 = arith.index_cast %squeeze3A_673 : i32 to index
      %get3A_679 = arith.constant 32 : index
      %get3A_680 = tpu.vector_load %arg7[%get3A_678, %get3A_679] {strides = array<i32>} : memref<1000x64xbf16, #tpu.memory_space<vmem>>, vector<32xbf16>,
      %add3A_681 = arith.addf %add3A_671, %get3A_680 : vector<32xbf16>
      %slice3A_682 = vector.extract_strided_slice %select_n3A_641 {offsets = [4], sizes = [1], strides = [1]} : vector<16xi32> to vector<1xi32>
      %squeeze3A_683 = vector.extract %slice3A_682[0] : i32 from vector<1xi32>
      %get3A_684 = arith.index_cast %squeeze3A_683 : i32 to index
      %get3A_685 = arith.constant 0 : index
      %get3A_686 = tpu.vector_load %arg7[%get3A_684, %get3A_685] {strides = array<i32>} : memref<1000x64xbf16, #tpu.memory_space<vmem>>, vector<32xbf16>,
      %add3A_687 = arith.addf %add3A_677, %get3A_686 : vector<32xbf16>
      %get3A_688 = arith.index_cast %squeeze3A_683 : i32 to index
      %get3A_689 = arith.constant 32 : index
      %get3A_690 = tpu.vector_load %arg7[%get3A_688, %get3A_689] {strides = array<i32>} : memref<1000x64xbf16, #tpu.memory_space<vmem>>, vector<32xbf16>,
      %add3A_691 = arith.addf %add3A_681, %get3A_690 : vector<32xbf16>
      %slice3A_692 = vector.extract_strided_slice %select_n3A_641 {offsets = [5], sizes = [1], strides = [1]} : vector<16xi32> to vector<1xi32>
      %squeeze3A_693 = vector.extract %slice3A_692[0] : i32 from vector<1xi32>
      %get3A_694 = arith.index_cast %squeeze3A_693 : i32 to index
      %get3A_695 = arith.constant 0 : index
      %get3A_696 = tpu.vector_load %arg7[%get3A_694, %get3A_695] {strides = array<i32>} : memref<1000x64xbf16, #tpu.memory_space<vmem>>, vector<32xbf16>,
      %add3A_697 = arith.addf %add3A_687, %get3A_696 : vector<32xbf16>
      %get3A_698 = arith.index_cast %squeeze3A_693 : i32 to index
      %get3A_699 = arith.constant 32 : index
      %get3A_700 = tpu.vector_load %arg7[%get3A_698, %get3A_699] {strides = array<i32>} : memref<1000x64xbf16, #tpu.memory_space<vmem>>, vector<32xbf16>,
      %add3A_701 = arith.addf %add3A_691, %get3A_700 : vector<32xbf16>
      %slice3A_702 = vector.extract_strided_slice %select_n3A_641 {offsets = [6], sizes = [1], strides = [1]} : vector<16xi32> to vector<1xi32>
      %squeeze3A_703 = vector.extract %slice3A_702[0] : i32 from vector<1xi32>
      %get3A_704 = arith.index_cast %squeeze3A_703 : i32 to index
      %get3A_705 = arith.constant 0 : index
      %get3A_706 = tpu.vector_load %arg7[%get3A_704, %get3A_705] {strides = array<i32>} : memref<1000x64xbf16, #tpu.memory_space<vmem>>, vector<32xbf16>,
      %add3A_707 = arith.addf %add3A_697, %get3A_706 : vector<32xbf16>
      %get3A_708 = arith.index_cast %squeeze3A_703 : i32 to index
      %get3A_709 = arith.constant 32 : index
      %get3A_710 = tpu.vector_load %arg7[%get3A_708, %get3A_709] {strides = array<i32>} : memref<1000x64xbf16, #tpu.memory_space<vmem>>, vector<32xbf16>,
      %add3A_711 = arith.addf %add3A_701, %get3A_710 : vector<32xbf16>
      %slice3A_712 = vector.extract_strided_slice %select_n3A_641 {offsets = [7], sizes = [1], strides = [1]} : vector<16xi32> to vector<1xi32>
      %squeeze3A_713 = vector.extract %slice3A_712[0] : i32 from vector<1xi32>
      %get3A_714 = arith.index_cast %squeeze3A_713 : i32 to index
      %get3A_715 = arith.constant 0 : index
      %get3A_716 = tpu.vector_load %arg7[%get3A_714, %get3A_715] {strides = array<i32>} : memref<1000x64xbf16, #tpu.memory_space<vmem>>, vector<32xbf16>,
      %add3A_717 = arith.addf %add3A_707, %get3A_716 : vector<32xbf16>
      %get3A_718 = arith.index_cast %squeeze3A_713 : i32 to index
      %get3A_719 = arith.constant 32 : index
      %get3A_720 = tpu.vector_load %arg7[%get3A_718, %get3A_719] {strides = array<i32>} : memref<1000x64xbf16, #tpu.memory_space<vmem>>, vector<32xbf16>,
      %add3A_721 = arith.addf %add3A_711, %get3A_720 : vector<32xbf16>
      %slice3A_722 = vector.extract_strided_slice %select_n3A_641 {offsets = [8], sizes = [1], strides = [1]} : vector<16xi32> to vector<1xi32>
      %squeeze3A_723 = vector.extract %slice3A_722[0] : i32 from vector<1xi32>
      %get3A_724 = arith.index_cast %squeeze3A_723 : i32 to index
      %get3A_725 = arith.constant 0 : index
      %get3A_726 = tpu.vector_load %arg7[%get3A_724, %get3A_725] {strides = array<i32>} : memref<1000x64xbf16, #tpu.memory_space<vmem>>, vector<32xbf16>,
      %add3A_727 = arith.addf %add3A_717, %get3A_726 : vector<32xbf16>
      %get3A_728 = arith.index_cast %squeeze3A_723 : i32 to index
      %get3A_729 = arith.constant 32 : index
      %get3A_730 = tpu.vector_load %arg7[%get3A_728, %get3A_729] {strides = array<i32>} : memref<1000x64xbf16, #tpu.memory_space<vmem>>, vector<32xbf16>,
      %add3A_731 = arith.addf %add3A_721, %get3A_730 : vector<32xbf16>
      %slice3A_732 = vector.extract_strided_slice %select_n3A_641 {offsets = [9], sizes = [1], strides = [1]} : vector<16xi32> to vector<1xi32>
      %squeeze3A_733 = vector.extract %slice3A_732[0] : i32 from vector<1xi32>
      %get3A_734 = arith.index_cast %squeeze3A_733 : i32 to index
      %get3A_735 = arith.constant 0 : index
      %get3A_736 = tpu.vector_load %arg7[%get3A_734, %get3A_735] {strides = array<i32>} : memref<1000x64xbf16, #tpu.memory_space<vmem>>, vector<32xbf16>,
      %add3A_737 = arith.addf %add3A_727, %get3A_736 : vector<32xbf16>
      %get3A_738 = arith.index_cast %squeeze3A_733 : i32 to index
      %get3A_739 = arith.constant 32 : index
      %get3A_740 = tpu.vector_load %arg7[%get3A_738, %get3A_739] {strides = array<i32>} : memref<1000x64xbf16, #tpu.memory_space<vmem>>, vector<32xbf16>,
      %add3A_741 = arith.addf %add3A_731, %get3A_740 : vector<32xbf16>
      %slice3A_742 = vector.extract_strided_slice %select_n3A_641 {offsets = [10], sizes = [1], strides = [1]} : vector<16xi32> to vector<1xi32>
      %squeeze3A_743 = vector.extract %slice3A_742[0] : i32 from vector<1xi32>
      %get3A_744 = arith.index_cast %squeeze3A_743 : i32 to index
      %get3A_745 = arith.constant 0 : index
      %get3A_746 = tpu.vector_load %arg7[%get3A_744, %get3A_745] {strides = array<i32>} : memref<1000x64xbf16, #tpu.memory_space<vmem>>, vector<32xbf16>,
      %add3A_747 = arith.addf %add3A_737, %get3A_746 : vector<32xbf16>
      %get3A_748 = arith.index_cast %squeeze3A_743 : i32 to index
      %get3A_749 = arith.constant 32 : index
      %get3A_750 = tpu.vector_load %arg7[%get3A_748, %get3A_749] {strides = array<i32>} : memref<1000x64xbf16, #tpu.memory_space<vmem>>, vector<32xbf16>,
      %add3A_751 = arith.addf %add3A_741, %get3A_750 : vector<32xbf16>
      %slice3A_752 = vector.extract_strided_slice %select_n3A_641 {offsets = [11], sizes = [1], strides = [1]} : vector<16xi32> to vector<1xi32>
      %squeeze3A_753 = vector.extract %slice3A_752[0] : i32 from vector<1xi32>
      %get3A_754 = arith.index_cast %squeeze3A_753 : i32 to index
      %get3A_755 = arith.constant 0 : index
      %get3A_756 = tpu.vector_load %arg7[%get3A_754, %get3A_755] {strides = array<i32>} : memref<1000x64xbf16, #tpu.memory_space<vmem>>, vector<32xbf16>,
      %add3A_757 = arith.addf %add3A_747, %get3A_756 : vector<32xbf16>
      %get3A_758 = arith.index_cast %squeeze3A_753 : i32 to index
      %get3A_759 = arith.constant 32 : index
      %get3A_760 = tpu.vector_load %arg7[%get3A_758, %get3A_759] {strides = array<i32>} : memref<1000x64xbf16, #tpu.memory_space<vmem>>, vector<32xbf16>,
      %add3A_761 = arith.addf %add3A_751, %get3A_760 : vector<32xbf16>
      %slice3A_762 = vector.extract_strided_slice %select_n3A_641 {offsets = [12], sizes = [1], strides = [1]} : vector<16xi32> to vector<1xi32>
      %squeeze3A_763 = vector.extract %slice3A_762[0] : i32 from vector<1xi32>
      %get3A_764 = arith.index_cast %squeeze3A_763 : i32 to index
      %get3A_765 = arith.constant 0 : index
      %get3A_766 = tpu.vector_load %arg7[%get3A_764, %get3A_765] {strides = array<i32>} : memref<1000x64xbf16, #tpu.memory_space<vmem>>, vector<32xbf16>,
      %add3A_767 = arith.addf %add3A_757, %get3A_766 : vector<32xbf16>
      %get3A_768 = arith.index_cast %squeeze3A_763 : i32 to index
      %get3A_769 = arith.constant 32 : index
      %get3A_770 = tpu.vector_load %arg7[%get3A_768, %get3A_769] {strides = array<i32>} : memref<1000x64xbf16, #tpu.memory_space<vmem>>, vector<32xbf16>,
      %add3A_771 = arith.addf %add3A_761, %get3A_770 : vector<32xbf16>
      %slice3A_772 = vector.extract_strided_slice %select_n3A_641 {offsets = [13], sizes = [1], strides = [1]} : vector<16xi32> to vector<1xi32>
      %squeeze3A_773 = vector.extract %slice3A_772[0] : i32 from vector<1xi32>
      %get3A_774 = arith.index_cast %squeeze3A_773 : i32 to index
      %get3A_775 = arith.constant 0 : index
      %get3A_776 = tpu.vector_load %arg7[%get3A_774, %get3A_775] {strides = array<i32>} : memref<1000x64xbf16, #tpu.memory_space<vmem>>, vector<32xbf16>,
      %add3A_777 = arith.addf %add3A_767, %get3A_776 : vector<32xbf16>
      %get3A_778 = arith.index_cast %squeeze3A_773 : i32 to index
      %get3A_779 = arith.constant 32 : index
      %get3A_780 = tpu.vector_load %arg7[%get3A_778, %get3A_779] {strides = array<i32>} : memref<1000x64xbf16, #tpu.memory_space<vmem>>, vector<32xbf16>,
      %add3A_781 = arith.addf %add3A_771, %get3A_780 : vector<32xbf16>
      %slice3A_782 = vector.extract_strided_slice %select_n3A_641 {offsets = [14], sizes = [1], strides = [1]} : vector<16xi32> to vector<1xi32>
      %squeeze3A_783 = vector.extract %slice3A_782[0] : i32 from vector<1xi32>
      %get3A_784 = arith.index_cast %squeeze3A_783 : i32 to index
      %get3A_785 = arith.constant 0 : index
      %get3A_786 = tpu.vector_load %arg7[%get3A_784, %get3A_785] {strides = array<i32>} : memref<1000x64xbf16, #tpu.memory_space<vmem>>, vector<32xbf16>,
      %add3A_787 = arith.addf %add3A_777, %get3A_786 : vector<32xbf16>
      %get3A_788 = arith.index_cast %squeeze3A_783 : i32 to index
      %get3A_789 = arith.constant 32 : index
      %get3A_790 = tpu.vector_load %arg7[%get3A_788, %get3A_789] {strides = array<i32>} : memref<1000x64xbf16, #tpu.memory_space<vmem>>, vector<32xbf16>,
      %add3A_791 = arith.addf %add3A_781, %get3A_790 : vector<32xbf16>
      %slice3A_792 = vector.extract_strided_slice %select_n3A_641 {offsets = [15], sizes = [1], strides = [1]} : vector<16xi32> to vector<1xi32>
      %squeeze3A_793 = vector.extract %slice3A_792[0] : i32 from vector<1xi32>
      %get3A_794 = arith.index_cast %squeeze3A_793 : i32 to index
      %get3A_795 = arith.constant 0 : index
      %get3A_796 = tpu.vector_load %arg7[%get3A_794, %get3A_795] {strides = array<i32>} : memref<1000x64xbf16, #tpu.memory_space<vmem>>, vector<32xbf16>,
      %add3A_797 = arith.addf %add3A_787, %get3A_796 : vector<32xbf16>
      %get3A_798 = arith.index_cast %squeeze3A_793 : i32 to index
      %get3A_799 = arith.constant 32 : index
      %get3A_800 = tpu.vector_load %arg7[%get3A_798, %get3A_799] {strides = array<i32>} : memref<1000x64xbf16, #tpu.memory_space<vmem>>, vector<32xbf16>,
      %add3A_801 = arith.addf %add3A_791, %get3A_800 : vector<32xbf16>
      %bitcast3A_802 = vector.bitcast %add3A_797 : vector<32xbf16> to vector<16xi32>
      %bitcast3A_803 = vector.bitcast %add3A_801 : vector<32xbf16> to vector<16xi32>
      %shift_left3A_804 = arith.constant 16 : i32
      %shift_left3A_805 = vector.broadcast %shift_left3A_804 : i32 to vector<16xi32>
      %shift_left3A_806 = arith.shli %bitcast3A_802, %shift_left3A_805 : vector<16xi32>
      %bitcast3A_807 = vector.bitcast %shift_left3A_806 : vector<16xi32> to vector<16xf32>
      %add3A_808 = arith.addf %scan3A_622#0, %bitcast3A_807 : vector<16xf32>
      %and3A_809 = arith.andi %bitcast3A_802, %broadcast_in_dim3A_3 : vector<16xi32>
      %bitcast3A_810 = vector.bitcast %and3A_809 : vector<16xi32> to vector<16xf32>
      %add3A_811 = arith.addf %scan3A_622#1, %bitcast3A_810 : vector<16xf32>
      %shift_left3A_812 = arith.constant 16 : i32
      %shift_left3A_813 = vector.broadcast %shift_left3A_812 : i32 to vector<16xi32>
      %shift_left3A_814 = arith.shli %bitcast3A_803, %shift_left3A_813 : vector<16xi32>
      %bitcast3A_815 = vector.bitcast %shift_left3A_814 : vector<16xi32> to vector<16xf32>
      %add3A_816 = arith.addf %scan3A_622#2, %bitcast3A_815 : vector<16xf32>
      %and3A_817 = arith.andi %bitcast3A_803, %broadcast_in_dim3A_3 : vector<16xi32>
      %bitcast3A_818 = vector.bitcast %and3A_817 : vector<16xi32> to vector<16xf32>
      %add3A_819 = arith.addf %scan3A_622#3, %bitcast3A_818 : vector<16xf32>
      %and3A_820 = arith.constant 1 : i32
      %and3A_821 = arith.andi %scan3A_182, %and3A_820 : i32
      %mul3A_822 = arith.constant 64 : i32
      %mul3A_823 = arith.muli %and3A_821, %mul3A_822 : i32
      %shift_right_arithmetic3A_824 = arith.constant 1 : i32
      %shift_right_arithmetic3A_825 = arith.shrsi %scan3A_182, %shift_right_arithmetic3A_824 : i32
      %add3A_826 = arith.constant 0 : i32
      %add3A_827 = arith.addi %mul3A_823, %add3A_826 : i32
      %swap3A_828 = arith.constant 0 : i32
      %swap3A_829 = arith.constant 0 : i32
      %swap3A_830 = arith.constant 0 : i32
      %swap3A_831 = tpu.memref_slice %arg11[%swap3A_828, %swap3A_829, %swap3A_830] : memref<2x64x128xf32, #tpu.memory_space<vmem>> -> memref<1x64x128xf32, #tpu.memory_space<vmem>>
      %swap3A_832 = tpu.memref_squeeze %swap3A_831 : memref<1x64x128xf32, #tpu.memory_space<vmem>> -> memref<64x128xf32, #tpu.memory_space<vmem>>
      %swap3A_833 = arith.index_cast %shift_right_arithmetic3A_825 : i32 to index
      %swap3A_834 = arith.index_cast %add3A_827 : i32 to index
      %swap3A_835 = tpu.vector_load %swap3A_832[%swap3A_833, %swap3A_834] {strides = array<i32>} : memref<64x128xf32, #tpu.memory_space<vmem>>, vector<16xf32>,
      tpu.vector_store %swap3A_832[%swap3A_833, %swap3A_834], %add3A_808 {strides = array<i32>} : memref<64x128xf32, #tpu.memory_space<vmem>>, vector<16xf32>,
      %shift_right_arithmetic3A_836 = arith.constant 1 : i32
      %shift_right_arithmetic3A_837 = arith.shrsi %scan3A_182, %shift_right_arithmetic3A_836 : i32
      %add3A_838 = arith.constant 16 : i32
      %add3A_839 = arith.addi %mul3A_823, %add3A_838 : i32
      %swap3A_840 = arith.constant 0 : i32
      %swap3A_841 = arith.constant 0 : i32
      %swap3A_842 = arith.constant 0 : i32
      %swap3A_843 = tpu.memref_slice %arg11[%swap3A_840, %swap3A_841, %swap3A_842] : memref<2x64x128xf32, #tpu.memory_space<vmem>> -> memref<1x64x128xf32, #tpu.memory_space<vmem>>
      %swap3A_844 = tpu.memref_squeeze %swap3A_843 : memref<1x64x128xf32, #tpu.memory_space<vmem>> -> memref<64x128xf32, #tpu.memory_space<vmem>>
      %swap3A_845 = arith.index_cast %shift_right_arithmetic3A_837 : i32 to index
      %swap3A_846 = arith.index_cast %add3A_839 : i32 to index
      %swap3A_847 = tpu.vector_load %swap3A_844[%swap3A_845, %swap3A_846] {strides = array<i32>} : memref<64x128xf32, #tpu.memory_space<vmem>>, vector<16xf32>,
      tpu.vector_store %swap3A_844[%swap3A_845, %swap3A_846], %add3A_811 {strides = array<i32>} : memref<64x128xf32, #tpu.memory_space<vmem>>, vector<16xf32>,
      %shift_right_arithmetic3A_848 = arith.constant 1 : i32
      %shift_right_arithmetic3A_849 = arith.shrsi %scan3A_182, %shift_right_arithmetic3A_848 : i32
      %add3A_850 = arith.constant 32 : i32
      %add3A_851 = arith.addi %mul3A_823, %add3A_850 : i32
      %swap3A_852 = arith.constant 0 : i32
      %swap3A_853 = arith.constant 0 : i32
      %swap3A_854 = arith.constant 0 : i32
      %swap3A_855 = tpu.memref_slice %arg11[%swap3A_852, %swap3A_853, %swap3A_854] : memref<2x64x128xf32, #tpu.memory_space<vmem>> -> memref<1x64x128xf32, #tpu.memory_space<vmem>>
      %swap3A_856 = tpu.memref_squeeze %swap3A_855 : memref<1x64x128xf32, #tpu.memory_space<vmem>> -> memref<64x128xf32, #tpu.memory_space<vmem>>
      %swap3A_857 = arith.index_cast %shift_right_arithmetic3A_849 : i32 to index
      %swap3A_858 = arith.index_cast %add3A_851 : i32 to index
      %swap3A_859 = tpu.vector_load %swap3A_856[%swap3A_857, %swap3A_858] {strides = array<i32>} : memref<64x128xf32, #tpu.memory_space<vmem>>, vector<16xf32>,
      tpu.vector_store %swap3A_856[%swap3A_857, %swap3A_858], %add3A_816 {strides = array<i32>} : memref<64x128xf32, #tpu.memory_space<vmem>>, vector<16xf32>,
      %shift_right_arithmetic3A_860 = arith.constant 1 : i32
      %shift_right_arithmetic3A_861 = arith.shrsi %scan3A_182, %shift_right_arithmetic3A_860 : i32
      %add3A_862 = arith.constant 48 : i32
      %add3A_863 = arith.addi %mul3A_823, %add3A_862 : i32
      %swap3A_864 = arith.constant 0 : i32
      %swap3A_865 = arith.constant 0 : i32
      %swap3A_866 = arith.constant 0 : i32
      %swap3A_867 = tpu.memref_slice %arg11[%swap3A_864, %swap3A_865, %swap3A_866] : memref<2x64x128xf32, #tpu.memory_space<vmem>> -> memref<1x64x128xf32, #tpu.memory_space<vmem>>
      %swap3A_868 = tpu.memref_squeeze %swap3A_867 : memref<1x64x128xf32, #tpu.memory_space<vmem>> -> memref<64x128xf32, #tpu.memory_space<vmem>>
      %swap3A_869 = arith.index_cast %shift_right_arithmetic3A_861 : i32 to index
      %swap3A_870 = arith.index_cast %add3A_863 : i32 to index
      %swap3A_871 = tpu.vector_load %swap3A_868[%swap3A_869, %swap3A_870] {strides = array<i32>} : memref<64x128xf32, #tpu.memory_space<vmem>>, vector<16xf32>,
      tpu.vector_store %swap3A_868[%swap3A_869, %swap3A_870], %add3A_819 {strides = array<i32>} : memref<64x128xf32, #tpu.memory_space<vmem>>, vector<16xf32>,
      %scan3A_872 = arith.constant 0 : i32
      scf.yield %scan3A_872 : i32
    }
    %scan3A_63 = arith.constant 128 : i32
    %add3A_64 = arith.constant 0 : i32
    %add3A_65 = arith.addi %mul3A_2, %add3A_64 : i32
    %jit3A = arith.constant 2 : i32
    %div3A = arith.divsi %add3A_65, %jit3A : i32
    %sign3A = arith.constant 0 : i32
    %sign3A_66 = arith.cmpi sgt, %add3A_65, %sign3A : i32
    %sign3A_67 = arith.extui %sign3A_66 : i1 to i32
    %sign3A_68 = arith.constant 0 : i32
    %sign3A_69 = arith.cmpi slt, %add3A_65, %sign3A_68 : i32
    %sign3A_70 = arith.extui %sign3A_69 : i1 to i32
    %sign3A_71 = arith.subi %sign3A_67, %sign3A_70 : i32
    %sign3A_72 = arith.constant 0 : i32
    %sign3A_73 = arith.cmpi sgt, %jit3A, %sign3A_72 : i32
    %sign3A_74 = arith.extui %sign3A_73 : i1 to i32
    %sign3A_75 = arith.constant 0 : i32
    %sign3A_76 = arith.cmpi slt, %jit3A, %sign3A_75 : i32
    %sign3A_77 = arith.extui %sign3A_76 : i1 to i32
    %sign3A_78 = arith.subi %sign3A_74, %sign3A_77 : i32
    %ne3A = arith.cmpi ne, %sign3A_71, %sign3A_78 : i32
    %rem3A = arith.remsi %add3A_65, %jit3A : i32
    %ne3A_79 = arith.constant 0 : i32
    %ne3A_80 = arith.cmpi ne, %rem3A, %ne3A_79 : i32
    %and3A = arith.andi %ne3A, %ne3A_80 : i1
    %sub3A = arith.constant 1 : i32
    %sub3A_81 = arith.subi %div3A, %sub3A : i32
    %select_n3A = arith.select %and3A, %sub3A_81, %div3A : i32
    %dma_start3A_82 = arith.constant 0 : i32
    %dma_start3A_83 = arith.constant 0 : i32
    %dma_start3A_84 = arith.constant 0 : i32
    %dma_start3A_85 = tpu.memref_slice %arg10[%dma_start3A_82, %dma_start3A_83, %dma_start3A_84] : memref<2x64x128xf32, #tpu.memory_space<vmem>> -> memref<1x64x128xf32, #tpu.memory_space<vmem>>
    %dma_start3A_86 = tpu.memref_squeeze %dma_start3A_85 : memref<1x64x128xf32, #tpu.memory_space<vmem>> -> memref<64x128xf32, #tpu.memory_space<vmem>>
    %dma_start3A_87 = arith.constant 0 : i32
    %dma_start3A_88 = tpu.memref_slice %arg5[%select_n3A, %dma_start3A_87] : memref<2048x128xf32, #tpu.memory_space<hbm>> -> memref<64x128xf32, #tpu.memory_space<hbm>>
    %dma_start3A_89 = arith.constant 0 : i32
    %dma_start3A_90 = tpu.memref_slice %arg5[%select_n3A, %dma_start3A_89] : memref<2048x128xf32, #tpu.memory_space<hbm>> -> memref<64x128xf32, #tpu.memory_space<hbm>>
    %dma_start3A_91 = arith.constant 0 : i32
    %dma_start3A_92 = arith.constant 0 : i32
    %dma_start3A_93 = tpu.memref_slice %arg10[%dma_start3A_82, %dma_start3A_91, %dma_start3A_92] : memref<2x64x128xf32, #tpu.memory_space<vmem>> -> memref<1x64x128xf32, #tpu.memory_space<vmem>>
    %dma_start3A_94 = tpu.memref_squeeze %dma_start3A_93 : memref<1x64x128xf32, #tpu.memory_space<vmem>> -> memref<64x128xf32, #tpu.memory_space<vmem>>
    tpu.enqueue_dma source(%dma_start3A_94 : memref<64x128xf32, #tpu.memory_space<vmem>>) target(%dma_start3A_90 : memref<64x128xf32, #tpu.memory_space<hbm>>) target_semaphore(%arg13 : memref<!tpu.dma_semaphore, #tpu.memory_space<semaphore_mem>>)
    %dma_start3A_95 = arith.constant 0 : i32
    %dma_start3A_96 = arith.constant 0 : i32
    %dma_start3A_97 = arith.constant 0 : i32
    %dma_start3A_98 = tpu.memref_slice %arg11[%dma_start3A_95, %dma_start3A_96, %dma_start3A_97] : memref<2x64x128xf32, #tpu.memory_space<vmem>> -> memref<1x64x128xf32, #tpu.memory_space<vmem>>
    %dma_start3A_99 = tpu.memref_squeeze %dma_start3A_98 : memref<1x64x128xf32, #tpu.memory_space<vmem>> -> memref<64x128xf32, #tpu.memory_space<vmem>>
    %dma_start3A_100 = arith.constant 0 : i32
    %dma_start3A_101 = tpu.memref_slice %arg6[%select_n3A, %dma_start3A_100] : memref<2048x128xf32, #tpu.memory_space<hbm>> -> memref<64x128xf32, #tpu.memory_space<hbm>>
    %dma_start3A_102 = arith.constant 0 : i32
    %dma_start3A_103 = tpu.memref_slice %arg6[%select_n3A, %dma_start3A_102] : memref<2048x128xf32, #tpu.memory_space<hbm>> -> memref<64x128xf32, #tpu.memory_space<hbm>>
    %dma_start3A_104 = arith.constant 0 : i32
    %dma_start3A_105 = arith.constant 0 : i32
    %dma_start3A_106 = tpu.memref_slice %arg11[%dma_start3A_95, %dma_start3A_104, %dma_start3A_105] : memref<2x64x128xf32, #tpu.memory_space<vmem>> -> memref<1x64x128xf32, #tpu.memory_space<vmem>>
    %dma_start3A_107 = tpu.memref_squeeze %dma_start3A_106 : memref<1x64x128xf32, #tpu.memory_space<vmem>> -> memref<64x128xf32, #tpu.memory_space<vmem>>
    tpu.enqueue_dma source(%dma_start3A_107 : memref<64x128xf32, #tpu.memory_space<vmem>>) target(%dma_start3A_103 : memref<64x128xf32, #tpu.memory_space<hbm>>) target_semaphore(%arg13 : memref<!tpu.dma_semaphore, #tpu.memory_space<semaphore_mem>>)
    %jit3A_108 = arith.constant 2 : i32
    %div3A_109 = arith.divsi %mul3A_2, %jit3A_108 : i32
    %sign3A_110 = arith.constant 0 : i32
    %sign3A_111 = arith.cmpi sgt, %mul3A_2, %sign3A_110 : i32
    %sign3A_112 = arith.extui %sign3A_111 : i1 to i32
    %sign3A_113 = arith.constant 0 : i32
    %sign3A_114 = arith.cmpi slt, %mul3A_2, %sign3A_113 : i32
    %sign3A_115 = arith.extui %sign3A_114 : i1 to i32
    %sign3A_116 = arith.subi %sign3A_112, %sign3A_115 : i32
    %sign3A_117 = arith.constant 0 : i32
    %sign3A_118 = arith.cmpi sgt, %jit3A_108, %sign3A_117 : i32
    %sign3A_119 = arith.extui %sign3A_118 : i1 to i32
    %sign3A_120 = arith.constant 0 : i32
    %sign3A_121 = arith.cmpi slt, %jit3A_108, %sign3A_120 : i32
    %sign3A_122 = arith.extui %sign3A_121 : i1 to i32
    %sign3A_123 = arith.subi %sign3A_119, %sign3A_122 : i32
    %ne3A_124 = arith.cmpi ne, %sign3A_116, %sign3A_123 : i32
    %rem3A_125 = arith.remsi %mul3A_2, %jit3A_108 : i32
    %ne3A_126 = arith.constant 0 : i32
    %ne3A_127 = arith.cmpi ne, %rem3A_125, %ne3A_126 : i32
    %and3A_128 = arith.andi %ne3A_124, %ne3A_127 : i1
    %sub3A_129 = arith.constant 1 : i32
    %sub3A_130 = arith.subi %div3A_109, %sub3A_129 : i32
    %select_n3A_131 = arith.select %and3A_128, %sub3A_130, %div3A_109 : i32
    %dma_wait3A_132 = arith.constant 0 : i32
    %dma_wait3A_133 = arith.constant 0 : i32
    %dma_wait3A_134 = arith.constant 0 : i32
    %dma_wait3A_135 = tpu.memref_slice %arg10[%dma_wait3A_132, %dma_wait3A_133, %dma_wait3A_134] : memref<2x64x128xf32, #tpu.memory_space<vmem>> -> memref<1x64x128xf32, #tpu.memory_space<vmem>>
    %dma_wait3A_136 = tpu.memref_squeeze %dma_wait3A_135 : memref<1x64x128xf32, #tpu.memory_space<vmem>> -> memref<64x128xf32, #tpu.memory_space<vmem>>
    %dma_wait3A_137 = arith.constant 0 : i32
    %dma_wait3A_138 = tpu.memref_slice %arg5[%select_n3A_131, %dma_wait3A_137] : memref<2048x128xf32, #tpu.memory_space<hbm>> -> memref<64x128xf32, #tpu.memory_space<hbm>>
    %dma_wait3A_139 = arith.constant 0 : i32
    %dma_wait3A_140 = tpu.memref_slice %arg5[%select_n3A_131, %dma_wait3A_139] : memref<2048x128xf32, #tpu.memory_space<hbm>> -> memref<64x128xf32, #tpu.memory_space<hbm>>
    %dma_wait3A_141 = arith.constant 0 : i32
    %dma_wait3A_142 = arith.constant 0 : i32
    %dma_wait3A_143 = tpu.memref_slice %arg10[%dma_wait3A_132, %dma_wait3A_141, %dma_wait3A_142] : memref<2x64x128xf32, #tpu.memory_space<vmem>> -> memref<1x64x128xf32, #tpu.memory_space<vmem>>
    %dma_wait3A_144 = tpu.memref_squeeze %dma_wait3A_143 : memref<1x64x128xf32, #tpu.memory_space<vmem>> -> memref<64x128xf32, #tpu.memory_space<vmem>>
    tpu.wait_dma2 semaphore(%arg13 : memref<!tpu.dma_semaphore, #tpu.memory_space<semaphore_mem>>) src(%dma_wait3A_144 : memref<64x128xf32, #tpu.memory_space<vmem>>) dst(%dma_wait3A_140 : memref<64x128xf32, #tpu.memory_space<hbm>>)
    %jit3A_145 = arith.constant 2 : i32
    %div3A_146 = arith.divsi %mul3A_2, %jit3A_145 : i32
    %sign3A_147 = arith.constant 0 : i32
    %sign3A_148 = arith.cmpi sgt, %mul3A_2, %sign3A_147 : i32
    %sign3A_149 = arith.extui %sign3A_148 : i1 to i32
    %sign3A_150 = arith.constant 0 : i32
    %sign3A_151 = arith.cmpi slt, %mul3A_2, %sign3A_150 : i32
    %sign3A_152 = arith.extui %sign3A_151 : i1 to i32
    %sign3A_153 = arith.subi %sign3A_149, %sign3A_152 : i32
    %sign3A_154 = arith.constant 0 : i32
    %sign3A_155 = arith.cmpi sgt, %jit3A_145, %sign3A_154 : i32
    %sign3A_156 = arith.extui %sign3A_155 : i1 to i32
    %sign3A_157 = arith.constant 0 : i32
    %sign3A_158 = arith.cmpi slt, %jit3A_145, %sign3A_157 : i32
    %sign3A_159 = arith.extui %sign3A_158 : i1 to i32
    %sign3A_160 = arith.subi %sign3A_156, %sign3A_159 : i32
    %ne3A_161 = arith.cmpi ne, %sign3A_153, %sign3A_160 : i32
    %rem3A_162 = arith.remsi %mul3A_2, %jit3A_145 : i32
    %ne3A_163 = arith.constant 0 : i32
    %ne3A_164 = arith.cmpi ne, %rem3A_162, %ne3A_163 : i32
    %and3A_165 = arith.andi %ne3A_161, %ne3A_164 : i1
    %sub3A_166 = arith.constant 1 : i32
    %sub3A_167 = arith.subi %div3A_146, %sub3A_166 : i32
    %select_n3A_168 = arith.select %and3A_165, %sub3A_167, %div3A_146 : i32
    %dma_wait3A_169 = arith.constant 0 : i32
    %dma_wait3A_170 = arith.constant 0 : i32
    %dma_wait3A_171 = arith.constant 0 : i32
    %dma_wait3A_172 = tpu.memref_slice %arg11[%dma_wait3A_169, %dma_wait3A_170, %dma_wait3A_171] : memref<2x64x128xf32, #tpu.memory_space<vmem>> -> memref<1x64x128xf32, #tpu.memory_space<vmem>>
    %dma_wait3A_173 = tpu.memref_squeeze %dma_wait3A_172 : memref<1x64x128xf32, #tpu.memory_space<vmem>> -> memref<64x128xf32, #tpu.memory_space<vmem>>
    %dma_wait3A_174 = arith.constant 0 : i32
    %dma_wait3A_175 = tpu.memref_slice %arg6[%select_n3A_168, %dma_wait3A_174] : memref<2048x128xf32, #tpu.memory_space<hbm>> -> memref<64x128xf32, #tpu.memory_space<hbm>>
    %dma_wait3A_176 = arith.constant 0 : i32
    %dma_wait3A_177 = tpu.memref_slice %arg6[%select_n3A_168, %dma_wait3A_176] : memref<2048x128xf32, #tpu.memory_space<hbm>> -> memref<64x128xf32, #tpu.memory_space<hbm>>
    %dma_wait3A_178 = arith.constant 0 : i32
    %dma_wait3A_179 = arith.constant 0 : i32
    %dma_wait3A_180 = tpu.memref_slice %arg11[%dma_wait3A_169, %dma_wait3A_178, %dma_wait3A_179] : memref<2x64x128xf32, #tpu.memory_space<vmem>> -> memref<1x64x128xf32, #tpu.memory_space<vmem>>
    %dma_wait3A_181 = tpu.memref_squeeze %dma_wait3A_180 : memref<1x64x128xf32, #tpu.memory_space<vmem>> -> memref<64x128xf32, #tpu.memory_space<vmem>>
    tpu.wait_dma2 semaphore(%arg13 : memref<!tpu.dma_semaphore, #tpu.memory_space<semaphore_mem>>) src(%dma_wait3A_181 : memref<64x128xf32, #tpu.memory_space<vmem>>) dst(%dma_wait3A_177 : memref<64x128xf32, #tpu.memory_space<hbm>>)
    return
  }
}

</mosaic_0001>

<sc_bundles>
// kernel: _sc_pool.3.cloned.1.call-start
scs
__scs_entry_jumppad:
0x0: {  	(pc) =	sbr.rel $0x88, $3  }
0x1: {  	(tag) =	ssettag $0x0;
	lr =	simm.s32 $0x1  }
0x2: {  	[smem:$0x3F9E] =	sst lr;
	_ =	strace $0xD0000000  }
0x3: {  	_ = 	snop  }
0x4: {  	_ = 	snop  }
0x5: {  	_ = 	snop  }
0x6: {  	_ = 	snop  }
0x7: {  	_ = 	snop  }
__scs_overlays_trampoline_lowered:
0x8: {  	[smem:$0x3FAD] =	sst s0  }
0x9: {  	[smem:$0x3FAE] =	sst s1  }
0xa: {  	[smem:$0x3FAF] =	sst s2  }
0xb: {  	[smem:$0x3FB0] =	sst s3  }
0xc: {  	[smem:$0x3FB1] =	sst s4  }
0xd: {  	[smem:$0x3FB2] =	sst s5  }
0xe: {  	[smem:$0x3FB3] =	sst s6  }
0xf: {  	[smem:$0x3FB4] =	sst s7  }
0x10: {  	[smem:$0x3FB5] =	sst s8  }
0x11: {  	[smem:$0x3FB6] =	sst s9;
	s0 =	simm.s32 @!p0 $0x0  }
0x12: {  	s1 =	sld [smem:$0x3F9C];
	s0 =	simm.s32 @p0 $0x1  }
0x13: {  	[smem:$0x3FB7] =	sst s0;
	s0 =	simm.s32 @!p1 $0x0  }
0x14: {  	s2 =	sld [smem:$0x3F9B];
	s0 =	simm.s32 @p1 $0x1  }
0x15: {  	[smem:$0x3FB8] =	sst s0;
	s0 =	simm.s32 @!p2 $0x0  }
0x16: {  	s3 =	sld [smem:$0x3FDB];
	s0 =	simm.s32 @p2 $0x1  }
0x17: {  	s4 =	simm.s32 $0x1BF5;
	[smem:$0x3FBA] =	sst s0  }
0x18: {  	s0 =	sld [smem:$0x3F9D];
	_ =	swait.ge [sflag:s4], $0x0  }
0x19: {  	s7 =	sld [smem:$0x3F9E]  }
0x1a: {  	s8 =	sadd.s32 $0xFFFFE003, lr  }
0x1b: {  	s9 =	sadd.s32 $0xFFFFFEF7, lr;
	s5 =	simm.s32 $0xFFFFFFFF;
	p2 =	slt.u32 s8, $0xFFFFF086  }
0x1c: {  	p1 =	slt.u32 s9, $0xF7A;
	s5 =	simm.s32 @!p2 $0x0  }
0x1d: {  	s5 =	simm.s32 @p1 $0x1;
	p0 =	seq.s32 s7, s2  }
0x1e: {  	s7 =	smul.u32 @!p0 $0xF7A, s2;
	p2 =	seq.s32 @!p0 s5, $0x0  }
0x1f: {  	s9 =	smul.u32 $0xF7A, s1;
	s8 =	simm.s32 @!p0 $0x1BF5;
	p2 =	por !p2, p0  }
0x20: {  	[sflag:s8] =	ssyncset.s32 @!p0 $0xFFFFF086;
	s6 =	sadd.s32 @!p0 s3, s7;
	s7 =	simm.s32 @!p0 $0x108  }
0x21: {  	s3 =	sadd.s32 s3, s9;
	s6 =	sadd.s32 @!p0 $0x88, s6;
	s7 =	simm.s32 @p2 $0x1082  }
0x22: {  	[simem:s7], [sflag:s8] =	dma.local @!p0 [hbm:s6], $0xF7A  }
0x23: {  	s9 =	sor.u32 $0xD0000000, s2;
	s6 =	simm.s32 $0x108;
	_ =	swait.ge @!p0 [sflag:s8], $0x0  }
0x24: {  	s3 =	sadd.s32 $0x88, s3;
	s6 =	simm.s32 @!p1 $0x1082;
	[sflag:s4] =	ssyncset.s32 $0xFFFFF086  }
0x25: {  	[simem:s6], [sflag:s4] =	dma.local [hbm:s3], $0xF7A  }
0x26: {  	[smem:$0x3F9E] =	sst s1;
	(tag) =	ssettag s2;
	_ =	strace s9  }
0x27: {  	s1 =	sld [smem:$0x3FAE]  }
0x28: {  	s2 =	sld [smem:$0x3FAF]  }
0x29: {  	s4 =	sld [smem:$0x3FB1]  }
0x2a: {  	p0 =	seq.s32 s5, $0x0;
	s5 =	sld [smem:$0x3FB2]  }
0x2b: {  	s6 =	sld [smem:$0x3FB3]  }
0x2c: {  	s7 =	sld [smem:$0x3FB4]  }
0x2d: {  	s3 =	simm.s32 $0x108;
	s8 =	sld [smem:$0x3FB5]  }
0x2e: {  	s3 =	simm.s32 @!p0 $0x1082;
	s9 =	sld [smem:$0x3FB6]  }
0x2f: {  	lr =	sadd.s32 s0, s3;
	s0 =	sld [smem:$0x3FAD]  }
0x30: {  	s3 =	sld [smem:$0x3FB0]  }
0x31: {  	[smem:$0x3FB9] =	sst s10  }
0x32: {  	s10 =	sld [smem:$0x3FB7];
	_ =	sdelay $0x3  }
0x33: {  	p0 =	seq.s32 s10, $0x1;
	s10 =	sld [smem:$0x3FB9];
	_ =	sdelay $0x3  }
0x34: {  	[smem:$0x3FB9] =	sst s10  }
0x35: {  	s10 =	sld [smem:$0x3FB8];
	_ =	sdelay $0x3  }
0x36: {  	p1 =	seq.s32 s10, $0x1;
	s10 =	sld [smem:$0x3FB9];
	_ =	sdelay $0x3  }
0x37: {  	[smem:$0x3FB9] =	sst s10  }
0x38: {  	s10 =	sld [smem:$0x3FBA]  }
0x39: {  	_ = 	snop;
	(pc) =	sbr.ind lr, $3  }
0x3a: {  	_ = 	snop  }
0x3b: {  	_ = 	snop  }
0x3c: {  	p2 =	seq.s32 s10, $0x1;
	s10 =	sld [smem:$0x3FB9]  }
0x3d: {  	_ =	shalt  }
0x3e: {  	_ =	shalt  }
0x3f: {  	_ =	shalt  }
0x40: {  	_ =	shalt  }
0x41: {  	_ =	shalt  }
0x42: {  	_ =	shalt  }
0x43: {  	_ =	shalt  }
0x44: {  	_ =	shalt  }
0x45: {  	_ =	shalt  }
0x46: {  	_ =	shalt  }
0x47: {  	_ =	shalt  }
0x48: {  	_ =	shalt  }
0x49: {  	_ =	shalt  }
0x4a: {  	_ =	shalt  }
0x4b: {  	_ =	shalt  }
0x4c: {  	_ =	shalt  }
0x4d: {  	_ =	shalt  }
0x4e: {  	_ =	shalt  }
0x4f: {  	_ =	shalt  }
0x50: {  	_ =	shalt  }
0x51: {  	_ =	shalt  }
0x52: {  	_ =	shalt  }
0x53: {  	_ =	shalt  }
0x54: {  	_ =	shalt  }
0x55: {  	_ =	shalt  }
0x56: {  	_ =	shalt  }
0x57: {  	_ =	shalt  }
0x58: {  	_ =	shalt  }
0x59: {  	_ =	shalt  }
0x5a: {  	_ =	shalt  }
0x5b: {  	_ =	shalt  }
0x5c: {  	_ =	shalt  }
0x5d: {  	_ =	shalt  }
0x5e: {  	_ =	shalt  }
0x5f: {  	_ =	shalt  }
0x60: {  	_ =	shalt  }
0x61: {  	_ =	shalt  }
0x62: {  	_ =	shalt  }
0x63: {  	_ =	shalt  }
0x64: {  	_ =	shalt  }
0x65: {  	_ =	shalt  }
0x66: {  	_ =	shalt  }
0x67: {  	_ =	shalt  }
0x68: {  	_ =	shalt  }
0x69: {  	_ =	shalt  }
0x6a: {  	_ =	shalt  }
0x6b: {  	_ =	shalt  }
0x6c: {  	_ =	shalt  }
0x6d: {  	_ =	shalt  }
0x6e: {  	_ =	shalt  }
0x6f: {  	_ =	shalt  }
0x70: {  	_ =	shalt  }
0x71: {  	_ =	shalt  }
0x72: {  	_ =	shalt  }
0x73: {  	_ =	shalt  }
0x74: {  	_ =	shalt  }
0x75: {  	_ =	shalt  }
0x76: {  	_ =	shalt  }
0x77: {  	_ =	shalt  }
0x78: {  	_ =	shalt  }
0x79: {  	_ =	shalt  }
0x7a: {  	_ =	shalt  }
0x7b: {  	_ =	shalt  }
0x7c: {  	_ =	shalt  }
0x7d: {  	_ =	shalt  }
0x7e: {  	_ =	shalt  }
0x7f: {  	_ =	shalt  }
0x80: {  	_ =	shalt  }
0x81: {  	_ =	shalt  }
0x82: {  	_ =	shalt  }
0x83: {  	_ =	shalt  }
0x84: {  	_ =	shalt  }
0x85: {  	_ =	shalt  }
0x86: {  	_ =	shalt  }
0x87: {  	_ =	shalt  }
.Lfunc_end0:
.L_simem_size_0:
called_computation_lowered:
.L_overlay_start_0:
0x88: {  	s2 =	sld [smem:$0x3FD9]  }
0x89: {  	s3 =	sld [smem:$0x3FFE];
	_ =	sdelay $0x1  }
0x8a: {  	s1 =	srdreg.scid  }
0x8b: {  	s0 =	sand.u32 $0x1, s1  }
0x8c: {  	s14 =	sshll.u32 s0, $0xA;
	s2 =	sadd.s32 s3, s2  }
0x8d: {  	s2 =	sadd.s32 s2, s14  }
0x8e: {  	[smem:$0x3FC5] =	sst s2  }
0x8f: {  	_ = 	snop  }
0x90: {  	s2 =	sld [smem:$0x3FD0];
	_ =	sdelay $0x2  }
0x91: {  	s15 =	simm.s32 $0xA;
	s4 =	simm.s32 $0x10  }
0x92: {  	[smem:s4], [sflag:s15] =	dma.local [hbm:s2], $0x1  }
0x93: {  	_ =	swait.eq [sflag:s15], $0x1  }
0x94: {  	[sflag:s15] =	ssyncset.done $0x0  }
0x95: {  	s16 =	sld [smem:$0x10];
	[sflag:s15] =	ssyncadd.s32 $0xFFFFFFFF  }
0x96: {  	s17 =	sld [smem:$0x11];
	(tm) =	ssettm $0x1  }
0x97: {  	s18 =	sld [smem:$0x3FFB];
	_ =	sdelay $0x3  }
0x98: {  	_ =	strace s18  }
0x99: {  	s4 =	sld [smem:$0x3FFC];
	_ =	sdelay $0x3  }
0x9a: {  	_ =	strace s4  }
0x9b: {  	s4 =	sld [smem:$0x3FFD];
	_ =	sdelay $0x3  }
0x9c: {  	_ =	strace s4  }
0x9d: {  	_ =	strace $0x8FFFFFFF  }
0x9e: {  	s19 =	sld [smem:$0x3FDB];
	_ =	sdelay $0x1  }
0x9f: {  	s5 =	simm.s32 $_scs_section_size  }
0xa0: {  	s6 =	simm.s32 $_size__tile_overlayer_lowered;
	s7 =	simm.s32 $_tile_overlayer_lowered  }
0xa1: {  	s22 =	simm.s32 $0x1BFF;
	s21 =	sshll.u32 s7, $0x1;
	s4 =	sadd.s32 s5, s19  }
0xa2: {  	s8 =	simm.s32 $0x0;
	s20 =	sshll.u32 s6, $0x1;
	s6 =	sadd.s32 s21, s4  }
0xa3: {  	[timem:s8], [sflag:s22] =	dma.local [hbm:s6], s20  }
0xa4: {  	_ =	swait.ge [sflag:s22], s20  }
0xa5: {  	s5 =	ssub.s32 $0x0, s20;
	[sflag:s22] =	ssyncset.done $0x0  }
0xa6: {  	[sflag:s22] =	ssyncadd.s32 s5;
	_ =	sdelay $0x1  }
0xa7: {  	s23 =	simm.s32 $0x1B8B  }
0xa8: {  	_ =	swait.ge [sflag:s23], $0x1  }
0xa9: {  	[sflag:s23] =	ssyncset.done $0x0  }
0xaa: {  	s25 =	simm.s32 $0x1B8E;
	s24 =	sld [smem:$0x3FFE];
	[sflag:s23] =	ssyncadd.s32 $0xFFFFFFFF  }
0xab: {  	s26 =	simm.s32 $execute0_lowered;
	[smem:$0x3FD2] =	sst s25  }
0xac: {  	s6 =	sshll.u32 s26, $0x1;
	_ =	strace $0x80000046;
	[dreg:$0x1] =	wrdreg $0xFFFFFFFF  }
0xad: {  	s28 =	simm.s32 $_size_execute0_lowered;
	s4 =	sadd.s32 s4, s6;
	[dreg:$0x0] =	wrdreg $0x0  }
0xae: {  	s6 =	sshll.u32 s28, $0x1;
	[dreg:$0x2] =	wrdreg s4  }
0xaf: {  	[dreg:$0x3] =	wrdreg s6  }
0xb0: {  	[dreg:$0x4] =	wrdreg $0xC0  }
0xb1: {  	_ =	task [dreg:s8], $0x5FFFF  }
0xb2: {  	[dreg:$0x1] =	wrdreg $0xFFFFFFFF  }
0xb3: {  	[dreg:$0x0] =	wrdreg $0x60  }
0xb4: {  	[dreg:$0x2] =	wrdreg s24  }
0xb5: {  	[dreg:$0x3] =	wrdreg s16  }
0xb6: {  	[dreg:$0x4] =	wrdreg s17  }
0xb7: {  	[dreg:$0x5] =	wrdreg $0x9  }
0xb8: {  	_ =	task.clear_ibuf [dreg:s8], $0x6FFFF;
	_ =	strace $0x90000046  }
0xb9: {  	s29 =	simm.s32 $0x9;
	_ =	strace $0x80000048  }
0xba: {  	_ =	swait.ge [sflag:s29], $0x1  }
0xbb: {  	[sflag:s29] =	ssyncadd.s32 $0xFFFFFFFF  }
0xbc: {  	_ =	strace $0x90000048  }
0xbd: {  	_ =	sfence  }
0xbe: {  	s30 =	sld [smem:$0x0];
	_ =	sdelay $0x2  }
0xbf: {  	s31 =	sshll.u32 s1, $0xD;
	s1 =	sshrl.u32 s1, $0x2  }
0xc0: {  	s3 =	sand.u32 $0x4000, s31;
	s1 =	sadd.s32 s1, s30  }
0xc1: {  	s0 =	sor.u32 s3, s0;
	s1 =	sshll.u32 s1, $0x11  }
0xc2: {  	s0 =	sor.u32 s1, s0  }
0xc3: {  	s0 =	sadd.s32 $0x8F2B, s0  }
0xc4: {  	[sflag:s0] =	ssyncadd.remote.s32 $0x1  }
0xc5: {  	_ =	sfence.sel $0xFFFF  }
0xc6: {  	[dreg:$0x0] =	wrdreg $0xFFFFFFFF;
	(pc) =	sbr.abs _section_cstart, $3  }
0xc7: {  	[dreg:$0x1] =	wrdreg $0xFFFFFFFF  }
0xc8: {  	_ =	task.clear_ibuf [dreg:s8], $0x2FFFF;
	_ =	strace $0x9FFFFFFF  }
0xc9: {  	(tm) =	ssettm $0x7FFFFFFF  }
tec
execute0_lowered:
.L_overlay_start_1:
0x0: {  	(tag) =	ssettag $0x1  }
0x1: {  	s1 =	srdreg.scid;
	s3 =	rddreg [dreg:$0x0]  }
0x2: {  	s0 =	stileid.u32;
	s6 =	rddreg [dreg:$0x1]  }
0x3: {  	s7 =	rddreg [dreg:$0x2];
	s12 =	simm.s32 $0x15D00;
	s13 =	simm.s32 $0x19D00  }
0x4: {  	s14 =	simm.s32 $0x2;
	s15 =	simm.s32 $0x0;
	s4 =	sand.u32 $0x1, s1  }
0x5: {  	s31 =	sshll.u32 s0, $0x8;
	s1 =	rddreg [dreg:$0x3];
	s2 =	sshll.u32 s4, $0x7  }
0x6: {  	s4 =	ssub.s32 $0x2, s4;
	s5 =	sor.u32 s2, s31;
	s2 =	simm.s32 $0x0  }
0x7: {  	s10 =	sshrl.u32 s4, $0x1;
	s8 =	smul.u32 $0x3, s5;
	[smem:$0x7FF] =	sst s2  }
0x8: {  	s9 =	smul.u32 $0x19, s5;
	s10 =	ssub.s32 s4, s10;
	s11 =	sshll.u32 s5, $0x3  }
0x9: {  	_ =	strace $0x80000047;
	s6 =	sadd.s32 s6, s11;
	s7 =	sadd.s32 s7, s11  }
0xa: {  	s11 =	simm.s32 $0x1;
	s8 =	sadd.s32 s8, s3;
	s9 =	sadd.s32 s9, s3  }
0xb: {  	s3 =	sadd.s32 $0x1CC00, s3;
	s4 =	sadd.s32 $0x19C00, s8;
	s5 =	sadd.s32 $0xC00, s9  }
0xc: {  	v0 =	vimm.bf16 $0.0e+00;
	s8 =	smax.u32 s10, $0x1;
	s9 =	simm.s32 $0x3;
	s10 =	simm.s32 $0x7D00  }
.LBB2_1:
0xd: {  	[tilespmem:s2], [sflag:$0x3] =	stream.linear.gather [hbm4b:s3+s2], $0x7D00, $0x38;
	[tilespmem:$0x1DD00] =	vst v63  }
0xe: {  	_ =	swait.ge [sflag:s9], $0x7D00  }
0xf: {  	[sflag:s9] =	ssyncset.done $0x0  }
0x10: {  	[sflag:s9] =	ssyncadd.s32 $0xFFFF8300  }
0x11: {  	[tilespmem:s10], [sflag:$0x1] =	stream.linear.gather [hbm4b:s4+s2], $0xC00, $0x38;
	[tilespmem:$0x1DD00] =	vst v63  }
0x12: {  	s16 =	simm.s32 $0x9500  }
0x13: {  	[tilespmem:s16], [sflag:$0x1] =	stream.linear.gather [hbm4b:s5+s2], $0x6400, $0x38;
	[tilespmem:$0x1DD00] =	vst v63  }
0x14: {  	_ =	swait.ge [sflag:s11], $0xC00  }
0x15: {  	[sflag:s11] =	ssyncset.done $0x0  }
0x16: {  	[sflag:s11] =	ssyncadd.s32 $0xFFFFF400  }
0x17: {  	_ =	swait.ge [sflag:s11], $0x6400  }
0x18: {  	[sflag:s11] =	ssyncset.done $0x0  }
0x19: {  	s17 =	simm.s32 $0x0;
	[sflag:s11] =	ssyncadd.s32 $0xFFFF9C00  }
.LBB2_2:
0x1a: {  	s18 =	smul.u32 $0x60, s17;
	_ =	sdelay $0x1  }
0x1b: {  	s18 =	sshra.s32 s18, $0x2  }
0x1c: {  	v1 =	vld [tilespmem:s18+$0x7D00];
	_ =	sdelay $0x4  }
0x1d: {  	v1 =	vshll.u32 v1, $0x7  }
0x1e: {  	v1 =	vshra.s32 v1, $0x2  }
0x1f: {  	(v2sf) =	vpush v1, $0x0;
	_ =	sdelay $0x1  }
0x20: {  	(v2sf) =	vpush v1, $0x1;
	_ =	sdelay $0x1  }
0x21: {  	(v2sf) =	vpush v1, $0x2;
	_ =	sdelay $0x1  }
0x22: {  	(v2sf) =	vpush v1, $0x3;
	_ =	sdelay $0x1  }
0x23: {  	(v2sf) =	vpush v1, $0x4;
	_ =	sdelay $0x1  }
0x24: {  	(v2sf) =	vpush v1, $0x5;
	_ =	sdelay $0x4  }
0x25: {  	s19 =	spop (v2sf)  }
0x26: {  	(v2sf) =	vpush v1, $0x6;
	v2 =	vld [tilespmem:s19+$0x0]  }
0x27: {  	v3 =	vld [tilespmem:s19+$0x10];
	s26 =	spop (v2sf)  }
0x28: {  	(v2sf) =	vpush v1, $0x7;
	v4 =	vld [tilespmem:s26+$0x0]  }
0x29: {  	v5 =	vld [tilespmem:s26+$0x10];
	s28 =	spop (v2sf)  }
0x2a: {  	(v2sf) =	vpush v1, $0x8;
	v6 =	vld [tilespmem:s28+$0x0]  }
0x2b: {  	v7 =	vld [tilespmem:s28+$0x10];
	s29 =	spop (v2sf)  }
0x2c: {  	(v2sf) =	vpush v1, $0x9;
	v8 =	vld [tilespmem:s29+$0x0]  }
0x2d: {  	v9 =	vld [tilespmem:s29+$0x10];
	s30 =	spop (v2sf);
	(v2sf) =	vpush v1, $0xA;
	v2 =	vadd.bf16 v0, v2  }
0x2e: {  	v10 =	vld [tilespmem:s30+$0x0];
	v3 =	vadd.bf16 v0, v3  }
0x2f: {  	s31 =	spop (v2sf);
	v2 =	vadd.bf16 v4, v2;
	v4 =	vld [tilespmem:s30+$0x10]  }
0x30: {  	(v2sf) =	vpush v1, $0xB;
	v3 =	vadd.bf16 v5, v3;
	v5 =	vld [tilespmem:s31+$0x0]  }
0x31: {  	v2 =	vadd.bf16 v6, v2;
	v6 =	vld [tilespmem:$0x0]  }
0x32: {  	(v2sf) =	vpush v1, $0xC;
	v3 =	vadd.bf16 v7, v3;
	v7 =	vld [tilespmem:s18+$0x7D04]  }
0x33: {  	v2 =	vadd.bf16 v8, v2;
	v8 =	vld [tilespmem:$0x10]  }
0x34: {  	(v2sf) =	vpush v1, $0xD;
	v3 =	vadd.bf16 v9, v3;
	v9 =	vld [tilespmem:s31+$0x10]  }
0x35: {  	v2 =	vadd.bf16 v10, v2;
	s19 =	spop (v2sf)  }
0x36: {  	v3 =	vadd.bf16 v4, v3;
	(v2sf) =	vpush v1, $0xE;
	v10 =	vld [tilespmem:s19+$0x0]  }
0x37: {  	v11 =	vadd.bf16 v0, v6;
	v4 =	vld [tilespmem:s19+$0x10];
	s20 =	spop (v2sf);
	v2 =	vadd.bf16 v5, v2  }
0x38: {  	(v2sf) =	vpush v1, $0xF;
	v1 =	vshll.u32 v7, $0x7;
	v5 =	vld [tilespmem:s20+$0x0];
	v12 =	vadd.bf16 v0, v8  }
0x39: {  	v7 =	vld [tilespmem:s20+$0x10];
	s21 =	spop (v2sf);
	v11 =	vadd.bf16 v11, v6;
	v1 =	vshra.s32 v1, $0x2;
	v3 =	vadd.bf16 v9, v3  }
0x3a: {  	v9 =	vld [tilespmem:s21+$0x0];
	(v2sf) =	vpush v1, $0xC;
	v12 =	vadd.bf16 v12, v8  }
0x3b: {  	v13 =	vld [tilespmem:s21+$0x10];
	s22 =	spop (v2sf);
	v11 =	vadd.bf16 v11, v6;
	(v2sf) =	vpush v1, $0xD  }
0x3c: {  	v14 =	vld [tilespmem:s22+$0x10];
	s23 =	spop (v2sf);
	(v2sf) =	vpush v1, $0xE  }
0x3d: {  	v15 =	vld [tilespmem:s23+$0x10];
	v12 =	vadd.bf16 v12, v8;
	v11 =	vadd.bf16 v11, v6  }
0x3e: {  	v2 =	vadd.bf16 v10, v2;
	v10 =	vld [tilespmem:s22+$0x0];
	v3 =	vadd.bf16 v4, v3  }
0x3f: {  	s24 =	spop (v2sf);
	v4 =	vld [tilespmem:s23+$0x0];
	v12 =	vadd.bf16 v12, v8;
	v11 =	vadd.bf16 v11, v6  }
0x40: {  	(v2sf) =	vpush v1, $0xF;
	v1 =	vld [tilespmem:s24+$0x10];
	v2 =	vadd.bf16 v5, v2  }
0x41: {  	s25 =	spop (v2sf);
	v5 =	vld [tilespmem:s24+$0x0];
	v12 =	vadd.bf16 v12, v8;
	v11 =	vadd.bf16 v11, v6  }
0x42: {  	v3 =	vadd.bf16 v7, v3;
	v7 =	vld [tilespmem:s25+$0x0];
	v2 =	vadd.bf16 v9, v2  }
0x43: {  	s26 =	spop (v2sf);
	v9 =	vld [tilespmem:s25+$0x10];
	v12 =	vadd.bf16 v12, v8;
	v11 =	vadd.bf16 v11, v6  }
0x44: {  	v3 =	vadd.bf16 v13, v3;
	v13 =	vld [tilespmem:s26+$0x10];
	v2 =	vadd.bf16 v10, v2  }
0x45: {  	v10 =	vld [tilespmem:s26+$0x0];
	v12 =	vadd.bf16 v12, v8;
	v11 =	vadd.bf16 v11, v6;
	s28 =	spop (v2sf)  }
0x46: {  	v3 =	vadd.bf16 v14, v3;
	v2 =	vadd.bf16 v4, v2;
	v4 =	vld [tilespmem:s28+$0x0]  }
0x47: {  	v14 =	vld [tilespmem:s28+$0x10];
	s29 =	spop (v2sf);
	v12 =	vadd.bf16 v12, v8;
	v11 =	vadd.bf16 v11, v6  }
0x48: {  	v3 =	vadd.bf16 v15, v3;
	v2 =	vadd.bf16 v5, v2;
	v5 =	vld [tilespmem:s29+$0x0]  }
0x49: {  	v15 =	vld [tilespmem:s29+$0x10];
	v12 =	vadd.bf16 v12, v8;
	v11 =	vadd.bf16 v11, v6;
	s30 =	spop (v2sf)  }
0x4a: {  	v1 =	vadd.bf16 v1, v3;
	v2 =	vadd.bf16 v7, v2;
	v3 =	vld [tilespmem:s30+$0x0]  }
0x4b: {  	s31 =	spop (v2sf);
	v7 =	vadd.bf16 v12, v8;
	v11 =	vadd.bf16 v11, v6;
	v12 =	vld [tilespmem:s30+$0x10]  }
0x4c: {  	v1 =	vadd.bf16 v9, v1;
	v2 =	vadd.bf16 v10, v2;
	v9 =	vld [tilespmem:s31+$0x0]  }
0x4d: {  	v10 =	vld [tilespmem:s31+$0x10];
	s19 =	spop (v2sf);
	v7 =	vadd.bf16 v7, v8;
	v6 =	vadd.bf16 v11, v6  }
0x4e: {  	v2 =	vadd.bf16 v4, v2;
	v4 =	vld [tilespmem:s19+$0x0]  }
0x4f: {  	s20 =	spop (v2sf);
	v7 =	vadd.bf16 v7, v8;
	v3 =	vadd.bf16 v6, v3;
	v6 =	vld [tilespmem:s19+$0x10]  }
0x50: {  	v1 =	vadd.bf16 v13, v1;
	v2 =	vadd.bf16 v5, v2;
	v5 =	vld [tilespmem:s20+$0x0]  }
0x51: {  	v7 =	vadd.bf16 v7, v12;
	v3 =	vadd.bf16 v3, v9  }
0x52: {  	v1 =	vadd.bf16 v14, v1;
	v8 =	vld [tilespmem:s20+$0x10];
	v9 =	vshll.u32 v2, $0x10  }
0x53: {  	v2 =	vand.u32 $0xFFFF0000, v2;
	v7 =	vadd.bf16 v7, v10;
	v3 =	vadd.bf16 v3, v4  }
0x54: {  	v1 =	vadd.bf16 v15, v1;
	v2 =	vadd.f32 $0.0e+00, v2  }
0x55: {  	v6 =	vadd.bf16 v7, v6;
	v3 =	vadd.bf16 v3, v5  }
0x56: {  	v4 =	vadd.f32 $0.0e+00, v9;
	v9 =	vshll.u32 v1, $0x10;
	v1 =	vand.u32 $0xFFFF0000, v1  }
0x57: {  	v5 =	vadd.f32 $0.0e+00, v9;
	v6 =	vadd.bf16 v6, v8;
	v7 =	vshll.u32 v3, $0x10  }
0x58: {  	v8 =	vadd.f32 $0.0e+00, v1;
	v1 =	vand.u32 $0xFFFF0000, v3;
	v4 =	vadd.f32 v7, v4  }
0x59: {  	s18 =	sshll.u32 s17, $0x6;
	v2 =	vadd.f32 v1, v2;
	v1 =	vmov s16;
	v3 =	vshll.u32 v6, $0x10  }
0x5a: {  	v3 =	vadd.f32 v3, v5;
	v5 =	vand.u32 $0xFFFF0000, v6;
	[tilespmem:s18+$0x15D00] =	vst v4  }
0x5b: {  	[tilespmem:s18+$0x15D10] =	vst v2;
	v4 =	vadd.f32 v5, v8  }
0x5c: {  	[tilespmem:s18+$0x15D20] =	vst v3  }
0x5d: {  	s21 =	simm.s32 $0x0;
	[tilespmem:s18+$0x15D30] =	vst v4  }
0x5e: {  	v2 =	vld.idx.msk [tilespmem:v1+s21+$0x0 ss:$0x1], $0xffff;
	_ =	sdelay $0x4  }
0x5f: {  	v2 =	vshll.u32 v2, $0x7  }
0x60: {  	v2 =	vshra.s32 v2, $0x2  }
0x61: {  	(v2sf) =	vpush v2, $0x0;
	_ =	sdelay $0x1  }
0x62: {  	(v2sf) =	vpush v2, $0x1;
	_ =	sdelay $0x1  }
0x63: {  	(v2sf) =	vpush v2, $0x2;
	_ =	sdelay $0x1  }
0x64: {  	(v2sf) =	vpush v2, $0x3;
	_ =	sdelay $0x1  }
0x65: {  	(v2sf) =	vpush v2, $0x4;
	_ =	sdelay $0x1  }
0x66: {  	(v2sf) =	vpush v2, $0x5;
	_ =	sdelay $0x1  }
0x67: {  	(v2sf) =	vpush v2, $0x6  }
0x68: {  	(v2sf) =	vpush v2, $0x7  }
0x69: {  	s20 =	simm.s32 $0x10  }
0x6a: {  	v11 =	vld.idx.msk [tilespmem:v1+s20+$0x0 ss:$0x1], $0xffff;
	(v2sf) =	vpush v2, $0x8;
	s22 =	spop (v2sf)  }
0x6b: {  	v3 =	vld [tilespmem:s22+$0x10]  }
0x6c: {  	v4 =	vld [tilespmem:s22+$0x0];
	s23 =	spop (v2sf)  }
0x6d: {  	(v2sf) =	vpush v2, $0x9;
	v5 =	vld [tilespmem:s23+$0x10]  }
0x6e: {  	v6 =	vld [tilespmem:s23+$0x0];
	s24 =	spop (v2sf)  }
0x6f: {  	(v2sf) =	vpush v2, $0xA;
	v7 =	vld [tilespmem:s24+$0x10]  }
0x70: {  	v8 =	vld [tilespmem:s24+$0x0];
	s25 =	spop (v2sf);
	(v2sf) =	vpush v2, $0xB;
	v3 =	vadd.bf16 v0, v3  }
0x71: {  	v9 =	vld [tilespmem:s25+$0x10];
	v4 =	vadd.bf16 v0, v4  }
0x72: {  	v10 =	vld [tilespmem:s25+$0x0];
	s26 =	spop (v2sf);
	(v2sf) =	vpush v2, $0xC;
	v3 =	vadd.bf16 v5, v3  }
0x73: {  	v5 =	vld [tilespmem:s26+$0x10];
	v4 =	vadd.bf16 v6, v4  }
0x74: {  	s28 =	spop (v2sf);
	(v2sf) =	vpush v2, $0xD;
	v12 =	vld [tilespmem:s26+$0x0];
	v3 =	vadd.bf16 v7, v3  }
0x75: {  	v7 =	vld [tilespmem:s28+$0x10];
	v4 =	vadd.bf16 v8, v4  }
0x76: {  	s29 =	spop (v2sf);
	(v2sf) =	vpush v2, $0xE;
	v8 =	vld [tilespmem:s28+$0x0];
	v3 =	vadd.bf16 v9, v3  }
0x77: {  	s30 =	spop (v2sf);
	(v2sf) =	vpush v2, $0xF;
	v9 =	vld [tilespmem:s29+$0x10];
	v2 =	vadd.bf16 v10, v4  }
0x78: {  	v4 =	vshll.u32 v11, $0x7;
	v10 =	vld [tilespmem:s29+$0x0];
	v3 =	vadd.bf16 v5, v3  }
0x79: {  	s31 =	spop (v2sf);
	v6 =	vshra.s32 v4, $0x2;
	v5 =	vld [tilespmem:s30+$0x10];
	v2 =	vadd.bf16 v12, v2  }
0x7a: {  	v4 =	vld [tilespmem:s31+$0x10];
	(v2sf) =	vpush v6, $0x0;
	v3 =	vadd.bf16 v7, v3  }
0x7b: {  	v7 =	vld [tilespmem:s30+$0x0]  }
0x7c: {  	s21 =	spop (v2sf);
	v2 =	vadd.bf16 v8, v2;
	v8 =	vld [tilespmem:s31+$0x0];
	v3 =	vadd.bf16 v9, v3  }
0x7d: {  	(v2sf) =	vpush v6, $0x1;
	v9 =	vld [tilespmem:s21+$0x10]  }
0x7e: {  	s22 =	spop (v2sf);
	v2 =	vadd.bf16 v10, v2;
	v10 =	vld [tilespmem:s21+$0x0];
	v3 =	vadd.bf16 v5, v3  }
0x7f: {  	s23 =	spop (v2sf);
	(v2sf) =	vpush v6, $0x2;
	v5 =	vld [tilespmem:s22+$0x10]  }
0x80: {  	v2 =	vadd.bf16 v7, v2;
	v7 =	vld [tilespmem:s22+$0x0];
	v3 =	vadd.bf16 v4, v3  }
0x81: {  	s24 =	spop (v2sf);
	(v2sf) =	vpush v6, $0x3;
	v4 =	vld [tilespmem:s23+$0x10]  }
0x82: {  	v2 =	vadd.bf16 v8, v2;
	v8 =	vld [tilespmem:s23+$0x0];
	v3 =	vadd.bf16 v9, v3  }
0x83: {  	s25 =	spop (v2sf);
	(v2sf) =	vpush v6, $0x4;
	v9 =	vld [tilespmem:s24+$0x10]  }
0x84: {  	v2 =	vadd.bf16 v10, v2;
	v10 =	vld [tilespmem:s24+$0x0];
	v3 =	vadd.bf16 v5, v3  }
0x85: {  	(v2sf) =	vpush v6, $0x5;
	v5 =	vld [tilespmem:s25+$0x10]  }
0x86: {  	s26 =	spop (v2sf);
	v2 =	vadd.bf16 v7, v2;
	v7 =	vld [tilespmem:s25+$0x0];
	v3 =	vadd.bf16 v4, v3  }
0x87: {  	(v2sf) =	vpush v6, $0x6;
	v4 =	vld [tilespmem:s26+$0x10]  }
0x88: {  	s28 =	spop (v2sf);
	v2 =	vadd.bf16 v8, v2;
	v8 =	vld [tilespmem:s26+$0x0];
	v3 =	vadd.bf16 v9, v3  }
0x89: {  	(v2sf) =	vpush v6, $0x7;
	s29 =	spop (v2sf);
	v9 =	vld [tilespmem:s28+$0x10]  }
0x8a: {  	v2 =	vadd.bf16 v10, v2;
	v10 =	vld [tilespmem:s29+$0x10];
	v3 =	vadd.bf16 v5, v3  }
0x8b: {  	(v2sf) =	vpush v6, $0x8;
	v5 =	vld [tilespmem:s28+$0x0]  }
0x8c: {  	(v2sf) =	vpush v6, $0x9;
	s30 =	spop (v2sf);
	v3 =	vadd.bf16 v4, v3;
	v4 =	vld [tilespmem:s29+$0x0]  }
0x8d: {  	(v2sf) =	vpush v6, $0xA;
	v2 =	vadd.bf16 v7, v2;
	v7 =	vld [tilespmem:s30+$0x10]  }
0x8e: {  	v13 =	vld [tilespmem:s30+$0x0];
	(v2sf) =	vpush v6, $0xB;
	s31 =	spop (v2sf)  }
0x8f: {  	v8 =	vadd.bf16 v8, v2;
	v12 =	vadd.bf16 v9, v3;
	v9 =	vld [tilespmem:s31+$0x10]  }
0x90: {  	(v2sf) =	vpush v6, $0xC;
	s22 =	spop (v2sf);
	v3 =	vimm.f32 $0.0e+00;
	v14 =	vadd.bf16 v0, v10;
	v10 =	vld [tilespmem:s31+$0x0]  }
0x91: {  	s19 =	sor.u32 $0x10, s18;
	s23 =	smul.u32 $0x320, s17;
	v11 =	vld [tilespmem:s22+$0x10];
	v8 =	vadd.bf16 v5, v8;
	v5 =	vimm.f32 $0.0e+00;
	v4 =	vadd.bf16 v0, v4  }
0x92: {  	s20 =	sor.u32 $0x30, s18;
	s21 =	sor.u32 $0x20, s18;
	s24 =	spop (v2sf);
	v2 =	vand.u32 $0xFFFF0000, v12;
	v14 =	vadd.bf16 v7, v14;
	v7 =	vshll.u32 v12, $0x10;
	v12 =	vld [tilespmem:s22+$0x0]  }
0x93: {  	s25 =	simm.s32 $0x20;
	s22 =	sshra.s32 s23, $0x2;
	s23 =	simm.s32 $0xC0;
	v2 =	vadd.f32 v2, v3;
	v15 =	vadd.bf16 v13, v4;
	v13 =	vld [tilespmem:s24+$0x10];
	v4 =	vimm.f32 $0.0e+00  }
.LBB2_3:
0x94: {  	p0 =	sne.s32 s23, $0x2C0;
	v16 =	vld.idx.msk [tilespmem:v1+s25+$0x0 ss:$0x1], $0xffff;
	v9 =	vadd.bf16 v9, v14;
	s25 =	spop (v2sf);
	v14 =	vshll.u32 v8, $0x10;
	v8 =	vand.u32 $0xFFFF0000, v8  }
0x95: {  	v10 =	vadd.bf16 v10, v15;
	v15 =	vld [tilespmem:s25+$0x10];
	(v2sf) =	vpush v6, $0xD  }
0x96: {  	v3 =	vadd.f32 v14, v3;
	v9 =	vadd.bf16 v11, v9;
	v11 =	vld [tilespmem:s24+$0x0];
	s24 =	spop (v2sf)  }
0x97: {  	v10 =	vadd.bf16 v12, v10;
	v12 =	vld [tilespmem:s24+$0x10];
	(v2sf) =	vpush v6, $0xE  }
0x98: {  	v5 =	vadd.f32 v8, v5;
	v9 =	vadd.bf16 v13, v9;
	v13 =	vld [tilespmem:s25+$0x0];
	s25 =	spop (v2sf)  }
0x99: {  	v4 =	vadd.f32 v7, v4;
	v8 =	vld [tilespmem:s25+$0x10];
	(v2sf) =	vpush v6, $0xF  }
0x9a: {  	v6 =	vshll.u32 v16, $0x7;
	v7 =	vadd.bf16 v15, v9;
	v9 =	vld [tilespmem:s24+$0x0];
	s24 =	spop (v2sf)  }
0x9b: {  	v6 =	vshra.s32 v6, $0x2;
	v10 =	vadd.bf16 v11, v10;
	v11 =	vld [tilespmem:s24+$0x10]  }
0x9c: {  	(v2sf) =	vpush v6, $0x0;
	v7 =	vadd.bf16 v12, v7;
	v12 =	vld [tilespmem:s25+$0x0];
	s25 =	spop (v2sf)  }
0x9d: {  	v10 =	vadd.bf16 v13, v10;
	v13 =	vld [tilespmem:s25+$0x10]  }
0x9e: {  	(v2sf) =	vpush v6, $0x1;
	v7 =	vadd.bf16 v8, v7;
	v8 =	vld [tilespmem:s24+$0x0];
	s24 =	spop (v2sf)  }
0x9f: {  	v9 =	vadd.bf16 v9, v10;
	v10 =	vld [tilespmem:s24+$0x10]  }
0xa0: {  	(v2sf) =	vpush v6, $0x2;
	v7 =	vadd.bf16 v11, v7;
	v11 =	vld [tilespmem:s25+$0x0];
	s25 =	spop (v2sf)  }
0xa1: {  	v9 =	vadd.bf16 v12, v9;
	v12 =	vld [tilespmem:s25+$0x10]  }
0xa2: {  	(v2sf) =	vpush v6, $0x3;
	v7 =	vadd.bf16 v13, v7;
	v13 =	vld [tilespmem:s24+$0x0];
	s24 =	spop (v2sf)  }
0xa3: {  	v8 =	vadd.bf16 v8, v9;
	v9 =	vld [tilespmem:s24+$0x10]  }
0xa4: {  	(v2sf) =	vpush v6, $0x4;
	v7 =	vadd.bf16 v10, v7;
	v10 =	vld [tilespmem:s25+$0x0];
	s25 =	spop (v2sf)  }
0xa5: {  	v8 =	vadd.bf16 v11, v8;
	v11 =	vld [tilespmem:s25+$0x10]  }
0xa6: {  	(v2sf) =	vpush v6, $0x5;
	v7 =	vadd.bf16 v12, v7;
	v12 =	vld [tilespmem:s24+$0x0];
	s24 =	spop (v2sf)  }
0xa7: {  	v8 =	vadd.bf16 v13, v8;
	v13 =	vld [tilespmem:s24+$0x10]  }
0xa8: {  	(v2sf) =	vpush v6, $0x6;
	v7 =	vadd.bf16 v9, v7;
	v9 =	vld [tilespmem:s25+$0x0];
	s25 =	spop (v2sf)  }
0xa9: {  	v8 =	vadd.bf16 v10, v8;
	v10 =	vld [tilespmem:s25+$0x10]  }
0xaa: {  	(v2sf) =	vpush v6, $0x7;
	v7 =	vadd.bf16 v11, v7;
	v11 =	vld [tilespmem:s24+$0x0]  }
0xab: {  	s24 =	spop (v2sf);
	v8 =	vadd.bf16 v12, v8;
	v15 =	vld [tilespmem:s25+$0x0]  }
0xac: {  	v12 =	vld [tilespmem:s24+$0x10];
	(v2sf) =	vpush v6, $0x8;
	v7 =	vadd.bf16 v13, v7  }
0xad: {  	v13 =	vld [tilespmem:s24+$0x0];
	s24 =	spop (v2sf);
	v8 =	vadd.bf16 v9, v8  }
0xae: {  	v14 =	vld [tilespmem:s24+$0x10];
	(v2sf) =	vpush v6, $0x9;
	v10 =	vadd.bf16 v10, v7  }
0xaf: {  	v16 =	vld [tilespmem:s24+$0x0];
	s24 =	spop (v2sf);
	v8 =	vadd.bf16 v11, v8  }
.Ltmp0:
0xb0: {  	v9 =	vld [tilespmem:s24+$0x10];
	(v2sf) =	vpush v6, $0xA;
	v7 =	vshll.u32 v10, $0x10;
	v11 =	vand.u32 $0xFFFF0000, v10;
	(pc) =	sbr.rel @p0 .LBB2_3-.Ltmp0, $4  }
0xb1: {  	v12 =	vadd.bf16 v0, v12;
	v10 =	vld [tilespmem:s24+$0x0];
	s24 =	spop (v2sf);
	v2 =	vadd.f32 v11, v2  }
0xb2: {  	v13 =	vadd.bf16 v0, v13;
	v11 =	vld [tilespmem:s24+$0x10];
	(v2sf) =	vpush v6, $0xB  }
0xb3: {  	v8 =	vadd.bf16 v15, v8;
	v14 =	vadd.bf16 v14, v12;
	v12 =	vld [tilespmem:s24+$0x0];
	s24 =	spop (v2sf)  }
0xb4: {  	s25 =	sshra.s32 s23, $0x2;
	s23 =	sadd.s32 $0x40, s23;
	v15 =	vadd.bf16 v16, v13;
	v13 =	vld [tilespmem:s24+$0x10];
	(v2sf) =	vpush v6, $0xC  }
0xb5: {  	_ =	sdelay $0x3  }
0xb6: {  	v1 =	vld.idx.msk [tilespmem:v1+s25+$0x0 ss:$0x1], $0xffff  }
0xb7: {  	v17 =	vld [tilespmem:s24+$0x0]  }
0xb8: {  	s23 =	spop (v2sf);
	v41 =	vld [tilespmem:s22+$0x95B8]  }
0xb9: {  	(v2sf) =	vpush v6, $0xD;
	v16 =	vld [tilespmem:s23+$0x10]  }
0xba: {  	v19 =	vld [tilespmem:s23+$0x0];
	s25 =	spop (v2sf)  }
0xbb: {  	v9 =	vadd.bf16 v9, v14;
	(v2sf) =	vpush v6, $0xE;
	v18 =	vld [tilespmem:s25+$0x10]  }
0xbc: {  	v10 =	vadd.bf16 v10, v15;
	v50 =	vld [tilespmem:s25+$0x0];
	s26 =	spop (v2sf)  }
0xbd: {  	v9 =	vadd.bf16 v11, v9;
	(v2sf) =	vpush v6, $0xF;
	v20 =	vld [tilespmem:s26+$0x10]  }
0xbe: {  	v10 =	vadd.bf16 v12, v10;
	v1 =	vshll.u32 v1, $0x7;
	v22 =	vld [tilespmem:s26+$0x0];
	s28 =	spop (v2sf)  }
0xbf: {  	v9 =	vadd.bf16 v13, v9;
	v21 =	vshra.s32 v1, $0x2;
	v1 =	vld [tilespmem:s28+$0x10]  }
0xc0: {  	v10 =	vadd.bf16 v17, v10;
	v24 =	vld [tilespmem:s28+$0x0];
	s29 =	spop (v2sf)  }
0xc1: {  	v9 =	vadd.bf16 v16, v9;
	(v2sf) =	vpush v21, $0x0;
	v23 =	vld [tilespmem:s29+$0x10]  }
0xc2: {  	v10 =	vadd.bf16 v19, v10;
	v26 =	vld [tilespmem:s29+$0x0];
	s30 =	spop (v2sf)  }
0xc3: {  	(v2sf) =	vpush v21, $0x1;
	v9 =	vadd.bf16 v18, v9;
	v25 =	vld [tilespmem:s30+$0x10]  }
0xc4: {  	v6 =	vadd.bf16 v50, v10;
	v28 =	vld [tilespmem:s30+$0x0];
	s31 =	spop (v2sf)  }
0xc5: {  	(v2sf) =	vpush v21, $0x2;
	v9 =	vadd.bf16 v20, v9;
	v27 =	vld [tilespmem:s31+$0x10]  }
0xc6: {  	v6 =	vadd.bf16 v22, v6;
	v52 =	vld [tilespmem:s31+$0x0];
	s25 =	spop (v2sf)  }
0xc7: {  	(v2sf) =	vpush v21, $0x3;
	v1 =	vadd.bf16 v1, v9;
	v51 =	vld [tilespmem:s25+$0x10]  }
0xc8: {  	v6 =	vadd.bf16 v24, v6;
	(v2sf) =	vpush v21, $0x4;
	s26 =	spop (v2sf);
	v54 =	vld [tilespmem:s25+$0x0]  }
0xc9: {  	v1 =	vadd.bf16 v23, v1;
	(v2sf) =	vpush v21, $0x5;
	v53 =	vld [tilespmem:s26+$0x10]  }
0xca: {  	v6 =	vadd.bf16 v26, v6;
	v56 =	vld [tilespmem:s26+$0x0];
	s28 =	spop (v2sf)  }
0xcb: {  	v29 =	vshll.u32 v8, $0x10;
	v1 =	vadd.bf16 v25, v1;
	(v2sf) =	vpush v21, $0x6;
	v55 =	vld [tilespmem:s28+$0x10]  }
0xcc: {  	v29 =	vadd.f32 v29, v3;
	v6 =	vadd.bf16 v28, v6;
	v58 =	vld [tilespmem:s28+$0x0];
	s29 =	spop (v2sf)  }
0xcd: {  	v3 =	vadd.bf16 v27, v1;
	(v2sf) =	vpush v21, $0x7;
	v57 =	vld [tilespmem:s29+$0x10]  }
0xce: {  	v6 =	vadd.bf16 v52, v6;
	v59 =	vld [tilespmem:s29+$0x0]  }
0xcf: {  	v39 =	vadd.bf16 v51, v3;
	v51 =	vld [tilespmem:$0x0]  }
0xd0: {  	v6 =	vadd.bf16 v54, v6;
	v54 =	vld [tilespmem:$0x10];
	s30 =	spop (v2sf)  }
0xd1: {  	(v2sf) =	vpush v21, $0x8;
	v60 =	vld [tilespmem:s30+$0x10]  }
0xd2: {  	v61 =	vld [tilespmem:s30+$0x0];
	s31 =	spop (v2sf);
	(v2sf) =	vpush v21, $0x9  }
0xd3: {  	v62 =	vld [tilespmem:s31+$0x10]  }
0xd4: {  	v63 =	vld [tilespmem:s31+$0x0];
	s24 =	spop (v2sf);
	(v2sf) =	vpush v21, $0xA  }
0xd5: {  	v32 =	vld [tilespmem:s24+$0x10]  }
0xd6: {  	v33 =	vld [tilespmem:s24+$0x0];
	s25 =	spop (v2sf);
	(v2sf) =	vpush v21, $0xB  }
0xd7: {  	v34 =	vld [tilespmem:s25+$0x10];
	s26 =	spop (v2sf)  }
0xd8: {  	v35 =	vld [tilespmem:s25+$0x0];
	s28 =	spop (v2sf);
	(v2sf) =	vpush v21, $0xC  }
0xd9: {  	v36 =	vld [tilespmem:s26+$0x10]  }
0xda: {  	v42 =	vadd.bf16 v53, v39;
	v38 =	vld [tilespmem:s26+$0x0];
	s29 =	spop (v2sf);
	(v2sf) =	vpush v21, $0xD  }
0xdb: {  	v3 =	vadd.f32 v7, v4;
	v6 =	vadd.bf16 v56, v6;
	v37 =	vld [tilespmem:s28+$0x10]  }
0xdc: {  	v1 =	vand.u32 $0xFFFF0000, v8;
	v4 =	vadd.bf16 v55, v42;
	v43 =	vld [tilespmem:s28+$0x0];
	s30 =	spop (v2sf);
	(v2sf) =	vpush v21, $0xE  }
0xdd: {  	v1 =	vadd.f32 v1, v5;
	v6 =	vadd.bf16 v58, v6;
	v40 =	vld [tilespmem:s29+$0x10]  }
0xde: {  	v58 =	vadd.bf16 v0, v51;
	v4 =	vadd.bf16 v57, v4;
	v45 =	vld [tilespmem:s29+$0x0]  }
0xdf: {  	v12 =	vshll.u32 v41, $0x7;
	v6 =	vadd.bf16 v59, v6;
	v44 =	vld [tilespmem:s30+$0x10];
	(v2sf) =	vpush v21, $0xF  }
0xe0: {  	v12 =	vshra.s32 v12, $0x2;
	v24 =	vadd.bf16 v58, v51;
	v10 =	vadd.bf16 v0, v60;
	v47 =	vld [tilespmem:s30+$0x0];
	s31 =	spop (v2sf)  }
0xe1: {  	v48 =	vadd.bf16 v0, v61;
	v50 =	vand.u32 $0xFFFF0000, v4;
	v46 =	vld [tilespmem:s31+$0x10];
	s24 =	spop (v2sf);
	(v2sf) =	vpush v12, $0x8  }
0xe2: {  	v61 =	vadd.bf16 v0, v54;
	v2 =	vadd.f32 v50, v2;
	v52 =	vld [tilespmem:s31+$0x0]  }
0xe3: {  	v24 =	vadd.bf16 v24, v51;
	v49 =	vld [tilespmem:s24+$0x10];
	s25 =	spop (v2sf);
	(v2sf) =	vpush v12, $0x9  }
0xe4: {  	v53 =	vshll.u32 v6, $0x10;
	v10 =	vadd.bf16 v62, v10;
	v9 =	vadd.bf16 v63, v48;
	v56 =	vld [tilespmem:s24+$0x0]  }
0xe5: {  	v18 =	vadd.f32 v53, v29;
	v55 =	vld [tilespmem:s25+$0x10];
	s26 =	spop (v2sf);
	(v2sf) =	vpush v12, $0xA  }
0xe6: {  	v27 =	vadd.bf16 v61, v54;
	v10 =	vadd.bf16 v32, v10;
	v59 =	vld [tilespmem:s25+$0x0]  }
0xe7: {  	v9 =	vadd.bf16 v33, v9;
	v57 =	vld [tilespmem:s26+$0x10];
	s28 =	spop (v2sf);
	(v2sf) =	vpush v12, $0xB  }
0xe8: {  	v24 =	vadd.bf16 v24, v51;
	v10 =	vadd.bf16 v34, v10;
	v62 =	vld [tilespmem:s26+$0x0]  }
0xe9: {  	v9 =	vadd.bf16 v35, v9;
	v60 =	vld [tilespmem:s28+$0x10];
	s29 =	spop (v2sf);
	(v2sf) =	vpush v12, $0xC  }
0xea: {  	v27 =	vadd.bf16 v27, v54;
	v10 =	vadd.bf16 v36, v10;
	v33 =	vld [tilespmem:s28+$0x0]  }
0xeb: {  	v8 =	vadd.bf16 v38, v9;
	v63 =	vld [tilespmem:s29+$0x10];
	s30 =	spop (v2sf);
	(v2sf) =	vpush v12, $0xD  }
0xec: {  	v24 =	vadd.bf16 v24, v51;
	v10 =	vadd.bf16 v37, v10;
	v35 =	vld [tilespmem:s29+$0x0]  }
0xed: {  	v5 =	vadd.bf16 v43, v8;
	v34 =	vld [tilespmem:s30+$0x10];
	(v2sf) =	vpush v12, $0xE  }
0xee: {  	v27 =	vadd.bf16 v27, v54;
	v10 =	vadd.bf16 v40, v10;
	s31 =	spop (v2sf);
	v36 =	vld [tilespmem:s30+$0x0]  }
0xef: {  	v5 =	vadd.bf16 v45, v5;
	v30 =	vld [tilespmem:s31+$0x10];
	(v2sf) =	vpush v12, $0xF  }
0xf0: {  	v24 =	vadd.bf16 v24, v51;
	v27 =	vadd.bf16 v27, v54;
	v37 =	vld [tilespmem:s31+$0x0];
	s23 =	spop (v2sf)  }
0xf1: {  	v7 =	vadd.bf16 v44, v10;
	v5 =	vadd.bf16 v47, v5;
	v38 =	vld [tilespmem:s23+$0x0]  }
0xf2: {  	v24 =	vadd.bf16 v24, v51;
	v39 =	vadd.bf16 v27, v54;
	v40 =	vld [tilespmem:s23+$0x10];
	s24 =	spop (v2sf)  }
0xf3: {  	v7 =	vadd.bf16 v46, v7;
	v5 =	vadd.bf16 v52, v5;
	v41 =	vld [tilespmem:s24+$0x0]  }
0xf4: {  	v42 =	vadd.bf16 v24, v51;
	v15 =	vadd.bf16 v39, v54;
	v43 =	vld [tilespmem:s24+$0x10];
	s25 =	spop (v2sf)  }
0xf5: {  	v7 =	vadd.bf16 v49, v7;
	v5 =	vadd.bf16 v56, v5;
	v44 =	vld [tilespmem:s25+$0x0]  }
0xf6: {  	v15 =	vadd.bf16 v15, v54;
	v45 =	vld [tilespmem:s25+$0x10];
	v10 =	vadd.bf16 v42, v38;
	s26 =	spop (v2sf)  }
0xf7: {  	v7 =	vadd.bf16 v55, v7;
	v5 =	vadd.bf16 v59, v5;
	v46 =	vld [tilespmem:s26+$0x0]  }
0xf8: {  	v15 =	vadd.bf16 v15, v40;
	v10 =	vadd.bf16 v10, v41;
	v47 =	vld [tilespmem:s26+$0x10];
	s28 =	spop (v2sf)  }
0xf9: {  	v7 =	vadd.bf16 v57, v7;
	v5 =	vadd.bf16 v62, v5;
	v48 =	vld [tilespmem:s28+$0x0]  }
0xfa: {  	v15 =	vadd.bf16 v15, v43;
	v10 =	vadd.bf16 v10, v44;
	v49 =	vld [tilespmem:s28+$0x10];
	s29 =	spop (v2sf)  }
0xfb: {  	v7 =	vadd.bf16 v60, v7;
	v5 =	vadd.bf16 v33, v5;
	v50 =	vld [tilespmem:s29+$0x0]  }
0xfc: {  	v15 =	vadd.bf16 v15, v45;
	v51 =	vld [tilespmem:s29+$0x10];
	s30 =	spop (v2sf);
	v10 =	vadd.bf16 v10, v46  }
0xfd: {  	v7 =	vadd.bf16 v63, v7;
	v5 =	vadd.bf16 v35, v5;
	v52 =	vld [tilespmem:s30+$0x0]  }
0xfe: {  	v13 =	vadd.bf16 v15, v47;
	v53 =	vld [tilespmem:s30+$0x10];
	s31 =	spop (v2sf);
	v9 =	vadd.bf16 v10, v48  }
0xff: {  	v7 =	vadd.bf16 v34, v7;
	v5 =	vadd.bf16 v36, v5;
	v54 =	vld [tilespmem:s31+$0x0]  }
0x100: {  	v13 =	vadd.bf16 v13, v49;
	v9 =	vadd.bf16 v9, v50  }
0x101: {  	v4 =	vshll.u32 v4, $0x10;
	v7 =	vadd.bf16 v30, v7;
	v5 =	vadd.bf16 v37, v5;
	v55 =	vld [tilespmem:s31+$0x10]  }
0x102: {  	v6 =	vand.u32 $0xFFFF0000, v6;
	v13 =	vadd.bf16 v13, v51;
	v8 =	vadd.bf16 v52, v9  }
0x103: {  	v3 =	vadd.f32 v4, v3;
	v1 =	vadd.f32 v6, v1;
	v56 =	vshll.u32 v7, $0x10  }
0x104: {  	v57 =	vshll.u32 v5, $0x10;
	v58 =	vadd.bf16 v53, v13;
	v8 =	vadd.bf16 v54, v8  }
0x105: {  	v7 =	vand.u32 $0xFFFF0000, v7;
	v5 =	vand.u32 $0xFFFF0000, v5;
	v6 =	vadd.f32 v57, v18  }
0x106: {  	s17 =	sadd.s32 $0x1, s17;
	v1 =	vadd.f32 v5, v1;
	v59 =	vadd.bf16 v55, v58;
	v60 =	vshll.u32 v8, $0x10  }
0x107: {  	p0 =	sne.s32 s17, $0x80;
	v3 =	vadd.f32 v56, v3;
	v62 =	vand.u32 $0xFFFF0000, v8;
	v61 =	vadd.f32 v60, v6  }
.Ltmp1:
0x108: {  	v2 =	vadd.f32 v7, v2;
	v63 =	vshll.u32 v59, $0x10;
	v1 =	vadd.f32 v62, v1;
	(pc) =	sbr.rel @p0 .LBB2_2-.Ltmp1, $4  }
0x109: {  	v5 =	vand.u32 $0xFFFF0000, v59;
	v3 =	vadd.f32 v63, v3;
	[tilespmem:s18+$0x19D00] =	vst v61  }
0x10a: {  	v2 =	vadd.f32 v5, v2;
	[tilespmem:s19+$0x19D00] =	vst v1  }
0x10b: {  	[tilespmem:s21+$0x19D00] =	vst v3  }
0x10c: {  	s16 =	sadd.s32 $0xC8, s16;
	[tilespmem:s20+$0x19D00] =	vst v2  }
0x10d: {  	[hbm4b:s6+s2] =	stream.linear.scatter [tilespmem:s12], [sflag:$0x2], $0x2000, $0x38;
	[tilespmem:$0x1DD00] =	vst v63  }
0x10e: {  	s15 =	sadd.s32 $0x1, s15  }
0x10f: {  	[hbm4b:s7+s2] =	stream.linear.scatter [tilespmem:s13], [sflag:$0x2], $0x2000, $0x38;
	[tilespmem:$0x1DD00] =	vst v63  }
0x110: {  	p0 =	sne.s32 s15, s8;
	_ =	swait.ge [sflag:s14], $0x2000  }
.Ltmp2:
0x111: {  	[sflag:s14] =	ssyncset.done $0x0;
	(pc) =	sbr.rel @p0 .LBB2_1-.Ltmp2, $4  }
0x112: {  	[sflag:s14] =	ssyncadd.s32 $0xFFFFE000  }
0x113: {  	_ =	swait.ge [sflag:s14], $0x2000  }
0x114: {  	[sflag:s14] =	ssyncset.done $0x0  }
0x115: {  	[sflag:s14] =	ssyncadd.s32 $0xFFFFE000  }
0x116: {  	_ =	sfence.sel $0x180000  }
0x117: {  	[bflag:$0x0] =	sbarrier.arrive $0xFFFF  }
0x118: {  	p0 =	sne.s32 s0, $0x0;
	_ =	strace $0x90000047  }
0x119: {  	s0 =	sadd.s32 @!p0 $0x100000, s1;
	[bflag:$0x2] =	sbarrier.arrive $0xFFFF  }
0x11a: {  	[sflag:s0] =	ssyncadd.tile.s32 @!p0 $0x1;
	_ =	shalt  }
.Lfunc_end2:
_tile_overlayer_lowered:
.L_overlay_start_2:
0x11b: {  	(tag) =	ssettag $0x2  }
0x11c: {  	s0 =	rddreg [dreg:$0x0];
	s2 =	stileid.u32  }
0x11d: {  	s1 =	rddreg [dreg:$0x1];
	p0 =	sne.s32 s2, $0x0  }
0x11e: {  	s3 =	rddreg [dreg:$0x2];
	[bflag:$0x3] =	sbarrier.arrive $0xFFFF;
	s2 =	simm.s32 @!p0 $0x1C03  }
0x11f: {  	[timem:s3], [sflag:s2] =	dma.local @!p0 [hbm:s0], s1  }
0x120: {  	s0 =	simm.s32 @!p0 $0x3  }
0x121: {  	_ =	swait.ge @!p0 [sflag:s0], s1  }
0x122: {  	s1 =	ssub.s32 @!p0 $0x0, s1;
	[sflag:s0] =	ssyncset.done @!p0 $0x0  }
0x123: {  	[sflag:s0] =	ssyncadd.s32 @!p0 s1  }
0x124: {  	[bflag:$0x3] =	sbarrier.arrive $0xFFFF  }
0x125: {  	_ =	shalt  }

</sc_bundles>
